<compile_context>
chip_gen: v7x
topology: tpu7x:2x2x1
jax: 0.10.2.dev20260603
libtpu: 0.0.44.dev20260713+nightly
codegen_flags: <defaults>
</compile_context>

<pallas_src>
import functools

import jax
import jax.numpy as jnp
from jax import lax
from jax.experimental import pallas as pl
from jax.experimental.pallas import tpu as pltpu
from jax.experimental.pallas import tpu_sc as plsc

_CUTOFF2 = 25.0
_K = 32
_NB = 16
_TM = 256
_CH = 128
_EPP = 4

_SC_CORES = 2
_SC_SUBCORES = 16
_NW = _SC_CORES * _SC_SUBCORES


def _topk_body(pos_l, bat_l, pos3, bat3, src_ref, wgt_ref,
               masked_ref, asrc_ref, awgt_ref):
    b = pl.program_id(0)
    n = pos_l.shape[1]
    nrb_tot = n // _TM
    inf = jnp.float32(jnp.inf)

    bat_full = bat_l[...]
    c0 = jnp.sum((bat_full < b).astype(jnp.int32))
    c1 = jnp.sum((bat_full <= b).astype(jnp.int32))
    qa0 = c0 // _CH
    qa1 = (c1 + _CH - 1) // _CH
    rb0 = c0 // _TM
    rb1 = (c1 + _TM - 1) // _TM

    iota_c = lax.broadcasted_iota(jnp.int32, (_CH, 1), 0)
    iota_l = lax.broadcasted_iota(jnp.int32, (1, _TM), 1)
    slot = lax.broadcasted_iota(jnp.int32, (_K, 1), 0)

    def row_block(rb, _):
        rs = rb * _TM
        xr = pos_l[0:1, pl.ds(rs, _TM)]
        yr = pos_l[1:2, pl.ds(rs, _TM)]
        zr = pos_l[2:3, pl.ds(rs, _TM)]
        brow = bat_l[0:1, pl.ds(rs, _TM)]
        row_ok = brow == b
        rowid = rs + iota_l

        def chunk_init(qa, _):
            xc = pos3[qa, :, 0:1]
            yc = pos3[qa, :, 1:2]
            zc = pos3[qa, :, 2:3]
            dx = xr - xc
            dy = yr - yc
            dz = zr - zc
            d2 = dx * dx + dy * dy + dz * dz
            valid = (bat3[qa] == b) & row_ok & (d2 <= _CUTOFF2)
            masked_ref[qa] = jnp.where(valid, d2, inf)
            return 0

        lax.fori_loop(qa0, qa1, chunk_init, 0)

        def pass_body(carry):
            t, _cont, vprev, jprev, src_acc, wgt_acc = carry

            def scan_chunk(qa, sc):
                mv = list(sc[0::2])
                mj = list(sc[1::2])
                jj = iota_c + qa * _CH
                c = masked_ref[qa]
                elig = (c > vprev) | ((c == vprev) & (jj > jprev))
                ceff = jnp.where(elig, c, inf)
                cands = []
                for _ in range(_EPP):
                    v = jnp.min(ceff, axis=0, keepdims=True)
                    jc = jnp.min(jnp.where(ceff == v, jj, n),
                                 axis=0, keepdims=True)
                    cands.append((v, jc))
                    ceff = jnp.where(jj == jc, inf, ceff)
                for xv, xj in cands:
                    bs = [(xv < mv[k]) | ((xv == mv[k]) & (xj < mj[k]))
                          for k in range(_EPP)]
                    nv = [jnp.where(bs[0], xv, mv[0])]
                    nj = [jnp.where(bs[0], xj, mj[0])]
                    for k in range(1, _EPP):
                        nv.append(jnp.where(bs[k - 1], mv[k - 1],
                                            jnp.where(bs[k], xv, mv[k])))
                        nj.append(jnp.where(bs[k - 1], mj[k - 1],
                                            jnp.where(bs[k], xj, mj[k])))
                    mv, mj = nv, nj
                out = []
                for k in range(_EPP):
                    out.extend((mv[k], mj[k]))
                return tuple(out)

            big = jnp.full((1, _TM), inf, jnp.float32)
            bign = jnp.full((1, _TM), n, jnp.int32)
            res = lax.fori_loop(
                qa0, qa1, scan_chunk, (big, bign) * _EPP)

            def emit(t_slot, v, j, src_acc, wgt_acc):
                finite = v < inf
                srcv = jnp.where(finite, j, rowid)
                loop_m = srcv != rowid
                safe = jnp.sqrt(jnp.where(loop_m, v, 1.0))
                wv = jnp.where(loop_m, safe, 0.0)
                sel = slot == t_slot
                return (jnp.where(sel, srcv, src_acc),
                        jnp.where(sel, wv, wgt_acc))

            for k in range(_EPP):
                src_acc, wgt_acc = emit(t + k, res[2 * k], res[2 * k + 1],
                                        src_acc, wgt_acc)
            cont = jnp.min(res[-2]) < inf
            return t + _EPP, cont, res[-2], res[-1], src_acc, wgt_acc

        def cond(carry):
            return (carry[0] < _K) & carry[1]

        src0 = jnp.broadcast_to(rowid, (_K, _TM)).astype(jnp.int32)
        wgt0 = jnp.zeros((_K, _TM), jnp.float32)
        carry0 = (jnp.int32(0), jnp.bool_(True),
                  jnp.full((1, _TM), -jnp.inf, jnp.float32),
                  jnp.full((1, _TM), -1, jnp.int32), src0, wgt0)
        out = lax.while_loop(cond, pass_body, carry0)

        asrc_ref[rb] = jnp.where(row_ok, out[4], asrc_ref[rb])
        awgt_ref[rb] = jnp.where(row_ok, out[5], awgt_ref[rb])
        return 0

    lax.fori_loop(rb0, rb1, row_block, 0)

    @pl.when(b == _NB - 1)
    def _copy_out():
        def cp(rb, _):
            src_ref[rb] = asrc_ref[rb]
            wgt_ref[rb] = awgt_ref[rb]
            return 0
        lax.fori_loop(0, nrb_tot, cp, 0)


def _topk_call(pos, batch, interpret=False):
    n = pos.shape[0]
    pos_l = pos.T
    bat_l = batch.reshape(1, n)
    pos3 = pos.reshape(n // _CH, _CH, 3)
    bat3 = batch.reshape(n // _CH, _CH, 1)
    nrb = n // _TM
    srcT, wgtT = pl.pallas_call(
        _topk_body,
        grid=(_NB,),
        in_specs=[
            pl.BlockSpec((3, n), lambda i: (0, 0)),
            pl.BlockSpec((1, n), lambda i: (0, 0)),
            pl.BlockSpec((n // _CH, _CH, 3), lambda i: (0, 0, 0)),
            pl.BlockSpec((n // _CH, _CH, 1), lambda i: (0, 0, 0)),
        ],
        out_specs=[
            pl.BlockSpec((nrb, _K, _TM), lambda i: (0, 0, 0)),
            pl.BlockSpec((nrb, _K, _TM), lambda i: (0, 0, 0)),
        ],
        out_shape=[
            jax.ShapeDtypeStruct((nrb, _K, _TM), jnp.int32),
            jax.ShapeDtypeStruct((nrb, _K, _TM), jnp.float32),
        ],
        scratch_shapes=[
            pltpu.VMEM((n // _CH, _CH, _TM), jnp.float32),
            pltpu.VMEM((nrb, _K, _TM), jnp.int32),
            pltpu.VMEM((nrb, _K, _TM), jnp.float32),
        ],
        interpret=interpret,
    )(pos_l, bat_l, pos3, bat3)
    src2d = jnp.transpose(srcT, (0, 2, 1)).reshape(n, _K)
    wgt2d = jnp.transpose(wgtT, (0, 2, 1)).reshape(n, _K)
    return src2d, wgt2d


def _edge_vec_call(px, py, pz, src_flat):
    n = px.shape[0]
    e = src_flat.shape[0]
    epw = e // _NW
    mesh = plsc.VectorSubcoreMesh(
        core_axis_name="c", subcore_axis_name="s",
        num_cores=_SC_CORES, num_subcores=_SC_SUBCORES)

    @functools.partial(
        pl.kernel,
        mesh=mesh,
        compiler_params=pltpu.CompilerParams(needs_layout_passes=False),
        out_type=[jax.ShapeDtypeStruct((e,), jnp.float32)] * 3,
        scratch_types=[
            pltpu.VMEM((n,), jnp.float32),
            pltpu.VMEM((n,), jnp.float32),
            pltpu.VMEM((n,), jnp.float32),
            pltpu.VMEM((epw,), jnp.int32),
            pltpu.VMEM((epw,), jnp.float32),
            pltpu.VMEM((epw,), jnp.float32),
            pltpu.VMEM((epw,), jnp.float32),
        ],
    )
    def k(px_hbm, py_hbm, pz_hbm, src_hbm, vx_hbm, vy_hbm, vz_hbm,
          px_v, py_v, pz_v, src_v, vx_v, vy_v, vz_v):
        c = lax.axis_index("c")
        s = lax.axis_index("s")
        wid = s * _SC_CORES + c
        base = wid * epw
        pltpu.sync_copy(px_hbm, px_v)
        pltpu.sync_copy(py_hbm, py_v)
        pltpu.sync_copy(pz_hbm, pz_v)
        pltpu.sync_copy(src_hbm.at[pl.ds(base, epw)], src_v)
        lane = lax.iota(jnp.int32, 16)

        def body(t, _):
            off = t * 16
            j = src_v[pl.ds(off, 16)]
            i = lax.shift_right_logical(base + off + lane, 5)
            vx_v[pl.ds(off, 16)] = (plsc.load_gather(px_v, [j])
                                    - plsc.load_gather(px_v, [i]))
            vy_v[pl.ds(off, 16)] = (plsc.load_gather(py_v, [j])
                                    - plsc.load_gather(py_v, [i]))
            vz_v[pl.ds(off, 16)] = (plsc.load_gather(pz_v, [j])
                                    - plsc.load_gather(pz_v, [i]))
            return 0

        lax.fori_loop(0, epw // 16, body, 0)
        pltpu.sync_copy(vx_v, vx_hbm.at[pl.ds(base, epw)])
        pltpu.sync_copy(vy_v, vy_hbm.at[pl.ds(base, epw)])
        pltpu.sync_copy(vz_v, vz_hbm.at[pl.ds(base, epw)])

    return k(px, py, pz, src_flat)


def kernel(pos, batch):
    n = pos.shape[0]
    src2d, wgt2d = _topk_call(pos, batch)
    src_flat = src2d.reshape(-1)
    px = pos[:, 0]
    py = pos[:, 1]
    pz = pos[:, 2]
    vx, vy, vz = _edge_vec_call(px, py, pz, src_flat)
    edge_vec = jnp.stack([vx, vy, vz], axis=-1)
    dst = jnp.broadcast_to(
        jnp.arange(n, dtype=jnp.int32)[:, None], (n, _K)).reshape(-1)
    edge_index = jnp.stack([src_flat, dst], axis=0)
    return edge_index, wgt2d.reshape(-1), edge_vec

# --- scband reference (transcript-rebuilt; emitter-appended) ---
"""Pipeline reference for scband-distance-50079318671831 (READ-ONLY COPY).

The authoritative reference and input builder live on the scoring server;
editing this copy changes nothing except your own understanding.
"""

import jax, jax.numpy as jnp
import numpy as np

N = 8192
NB = 16
CUTOFF = 5.0
MAX_NEIGHBORS = 32
BOX = 30.0


def setup_inputs(seed: int = 0) -> dict:
    key = jax.random.key(seed)
    k1, k2 = jax.random.split(key)
    pos = jax.random.uniform(k1, (N, 3), dtype=jnp.float32) * BOX
    batch = jnp.sort(jax.random.randint(k2, (N,), 0, NB)).astype(jnp.int32)
    return {"pos": pos, "batch": batch}


def _radius_graph(pos, batch, r, k):
    # Brute-force radius_graph with loop=True and per-row truncation to the
    # k nearest neighbors within the cutoff; invalid slots padded with
    # self-loops (which get edge_weight 0 under loop masking).
    n = pos.shape[0]
    diff = pos[:, None, :] - pos[None, :, :]
    dist2 = jnp.sum(diff * diff, axis=-1)  # dist2[i, j]: target i, source j
    same_batch = batch[:, None] == batch[None, :]
    valid = same_batch & (dist2 <= r * r)  # loop=True keeps self (dist 0)
    masked = jnp.where(valid, dist2, jnp.inf)
    neg_vals, idx = jax.lax.top_k(-masked, k)  # k nearest per target row
    valid_k = jnp.isfinite(neg_vals)
    rows = jnp.arange(n, dtype=idx.dtype)[:, None]
    src = jnp.where(valid_k, idx, rows)           # neighbor (source) nodes
    dst = jnp.broadcast_to(rows, src.shape)       # target nodes
    edge_index = jnp.stack([src.reshape(-1), dst.reshape(-1)], axis=0)
    return edge_index


def reference(pos, batch):
    edge_index = _radius_graph(pos, batch, CUTOFF, MAX_NEIGHBORS)
    # direction == 'source_to_target' (same expression for both branches in the module)
    edge_vec = pos[edge_index[0]] - pos[edge_index[1]]
    # loop=True: zero out weights on self-loop edges
    loop_mask = edge_index[0] != edge_index[1]
    sq = jnp.sum(edge_vec * edge_vec, axis=-1)
    safe = jnp.sqrt(jnp.where(loop_mask, sq, 1.0))
    edge_weight = jnp.where(loop_mask, safe, 0.0)
    return edge_index, edge_weight, edge_vec

if __name__ == "__main__":
    import jax
    _d = setup_inputs()
    print(jax.jit(kernel)(*tuple(_d.values())))

</pallas_src>

<mosaic_0001>
#map = affine_map<(d0, d1) -> (0)>
module attributes {stable_mosaic.version = 14 : i64} {
  func.func @k(%arg0: i32, %arg1: i32, %arg2: memref<8192xf32, #tpu.memory_space<hbm>>, %arg3: memref<8192xf32, #tpu.memory_space<hbm>>, %arg4: memref<8192xf32, #tpu.memory_space<hbm>>, %arg5: memref<262144xi32, #tpu.memory_space<hbm>>, %arg6: memref<262144xf32, #tpu.memory_space<hbm>>, %arg7: memref<262144xf32, #tpu.memory_space<hbm>>, %arg8: memref<262144xf32, #tpu.memory_space<hbm>>, %arg9: memref<8192xf32, #tpu.memory_space<vmem>>, %arg10: memref<8192xf32, #tpu.memory_space<vmem>>, %arg11: memref<8192xf32, #tpu.memory_space<vmem>>, %arg12: memref<8192xi32, #tpu.memory_space<vmem>>, %arg13: memref<8192xf32, #tpu.memory_space<vmem>>, %arg14: memref<8192xf32, #tpu.memory_space<vmem>>, %arg15: memref<8192xf32, #tpu.memory_space<vmem>>) attributes {dimension_semantics = [#tpu.dimension_semantics<core_parallel>, #tpu.dimension_semantics<subcore_parallel>], iteration_bounds = array<i64: 2, 16>, scalar_prefetch = 0 : i64, scratch_operands = 7 : i64, tpu.core_type = #tpu.core_type<sc_vector_subcore>, window_params = [{transform_indices = #map}, {transform_indices = #map}, {transform_indices = #map}, {transform_indices = #map}, {transform_indices = #map}, {transform_indices = #map}, {transform_indices = #map}]} {
    %mul3A = arith.constant 2 : i32
    %mul3A_0 = arith.muli %arg1, %mul3A : i32
    %add3A = arith.addi %mul3A_0, %arg0 : i32
    %mul3A_1 = arith.constant 8192 : i32
    %mul3A_2 = arith.muli %add3A, %mul3A_1 : i32
    "tpu.region"() ({
      %run_scoped3A = tpu.sem_alloc : memref<!tpu.dma_semaphore, #tpu.memory_space<semaphore_mem>>
      tpu.enqueue_dma source(%arg2 : memref<8192xf32, #tpu.memory_space<hbm>>) target(%arg9 : memref<8192xf32, #tpu.memory_space<vmem>>) target_semaphore(%run_scoped3A : memref<!tpu.dma_semaphore, #tpu.memory_space<semaphore_mem>>)
      tpu.wait_dma2 semaphore(%run_scoped3A : memref<!tpu.dma_semaphore, #tpu.memory_space<semaphore_mem>>) src(%arg2 : memref<8192xf32, #tpu.memory_space<hbm>>) dst(%arg9 : memref<8192xf32, #tpu.memory_space<vmem>>)
      tpu.yield
    }) : () -> ()
    "tpu.region"() ({
      %run_scoped3A = tpu.sem_alloc : memref<!tpu.dma_semaphore, #tpu.memory_space<semaphore_mem>>
      tpu.enqueue_dma source(%arg3 : memref<8192xf32, #tpu.memory_space<hbm>>) target(%arg10 : memref<8192xf32, #tpu.memory_space<vmem>>) target_semaphore(%run_scoped3A : memref<!tpu.dma_semaphore, #tpu.memory_space<semaphore_mem>>)
      tpu.wait_dma2 semaphore(%run_scoped3A : memref<!tpu.dma_semaphore, #tpu.memory_space<semaphore_mem>>) src(%arg3 : memref<8192xf32, #tpu.memory_space<hbm>>) dst(%arg10 : memref<8192xf32, #tpu.memory_space<vmem>>)
      tpu.yield
    }) : () -> ()
    "tpu.region"() ({
      %run_scoped3A = tpu.sem_alloc : memref<!tpu.dma_semaphore, #tpu.memory_space<semaphore_mem>>
      tpu.enqueue_dma source(%arg4 : memref<8192xf32, #tpu.memory_space<hbm>>) target(%arg11 : memref<8192xf32, #tpu.memory_space<vmem>>) target_semaphore(%run_scoped3A : memref<!tpu.dma_semaphore, #tpu.memory_space<semaphore_mem>>)
      tpu.wait_dma2 semaphore(%run_scoped3A : memref<!tpu.dma_semaphore, #tpu.memory_space<semaphore_mem>>) src(%arg4 : memref<8192xf32, #tpu.memory_space<hbm>>) dst(%arg11 : memref<8192xf32, #tpu.memory_space<vmem>>)
      tpu.yield
    }) : () -> ()
    "tpu.region"() ({
      %run_scoped3A = tpu.sem_alloc : memref<!tpu.dma_semaphore, #tpu.memory_space<semaphore_mem>>
      %dma_start3A = tpu.memref_slice %arg5[%mul3A_2] : memref<262144xi32, #tpu.memory_space<hbm>> -> memref<8192xi32, #tpu.memory_space<hbm>>
      %dma_start3A_9 = tpu.memref_slice %arg5[%mul3A_2] : memref<262144xi32, #tpu.memory_space<hbm>> -> memref<8192xi32, #tpu.memory_space<hbm>>
      tpu.enqueue_dma source(%dma_start3A_9 : memref<8192xi32, #tpu.memory_space<hbm>>) target(%arg12 : memref<8192xi32, #tpu.memory_space<vmem>>) target_semaphore(%run_scoped3A : memref<!tpu.dma_semaphore, #tpu.memory_space<semaphore_mem>>)
      %dma_wait3A = tpu.memref_slice %arg5[%mul3A_2] : memref<262144xi32, #tpu.memory_space<hbm>> -> memref<8192xi32, #tpu.memory_space<hbm>>
      %dma_wait3A_10 = tpu.memref_slice %arg5[%mul3A_2] : memref<262144xi32, #tpu.memory_space<hbm>> -> memref<8192xi32, #tpu.memory_space<hbm>>
      tpu.wait_dma2 semaphore(%run_scoped3A : memref<!tpu.dma_semaphore, #tpu.memory_space<semaphore_mem>>) src(%dma_wait3A_10 : memref<8192xi32, #tpu.memory_space<hbm>>) dst(%arg12 : memref<8192xi32, #tpu.memory_space<vmem>>)
      tpu.yield
    }) : () -> ()
    %iota3A = tpu.iota {dimensions = array<i32: 0>} : vector<16xi32>
    %scan3A = arith.constant 0 : i32
    %scan3A_3 = arith.constant 0 : i32
    %scan3A_4 = arith.constant 512 : i32
    %scan3A_5 = arith.addi %scan3A_3, %scan3A_4 : i32
    %scan3A_6 = arith.constant 1 : i32
    %scan3A_7 = scf.for %scan3A_9 = %scan3A_3 to %scan3A_5 step %scan3A_6 iter_args(%scan3A_10 = %scan3A) -> (i32)  : i32 {
      %mul3A_11 = arith.constant 16 : i32
      %mul3A_12 = arith.muli %scan3A_9, %mul3A_11 : i32
      %get3A = arith.index_cast %mul3A_12 : i32 to index
      %get3A_13 = tpu.vector_load %arg12[%get3A] {strides = array<i32>} : memref<8192xi32, #tpu.memory_space<vmem>>, vector<16xi32>,
      %add3A_14 = arith.addi %mul3A_2, %mul3A_12 : i32
      %add3A_15 = vector.broadcast %add3A_14 : i32 to vector<16xi32>
      %add3A_16 = arith.addi %add3A_15, %iota3A : vector<16xi32>
      %shift_right_logical3A = arith.constant 5 : i32
      %shift_right_logical3A_17 = vector.broadcast %shift_right_logical3A : i32 to vector<16xi32>
      %shift_right_logical3A_18 = arith.shrui %add3A_16, %shift_right_logical3A_17 : vector<16xi32>
      %gather3A = tpu.vector_load_idx %arg9[%get3A_13] : memref<8192xf32, #tpu.memory_space<vmem>>[vector<16xi32>], vector<16xf32>,
      %gather3A_19 = tpu.vector_load_idx %arg9[%shift_right_logical3A_18] : memref<8192xf32, #tpu.memory_space<vmem>>[vector<16xi32>], vector<16xf32>,
      %sub3A = arith.subf %gather3A, %gather3A_19 : vector<16xf32>
      %swap3A = arith.index_cast %mul3A_12 : i32 to index
      %swap3A_20 = tpu.vector_load %arg13[%swap3A] {strides = array<i32>} : memref<8192xf32, #tpu.memory_space<vmem>>, vector<16xf32>,
      tpu.vector_store %arg13[%swap3A], %sub3A {strides = array<i32>} : memref<8192xf32, #tpu.memory_space<vmem>>, vector<16xf32>,
      %gather3A_21 = tpu.vector_load_idx %arg10[%get3A_13] : memref<8192xf32, #tpu.memory_space<vmem>>[vector<16xi32>], vector<16xf32>,
      %gather3A_22 = tpu.vector_load_idx %arg10[%shift_right_logical3A_18] : memref<8192xf32, #tpu.memory_space<vmem>>[vector<16xi32>], vector<16xf32>,
      %sub3A_23 = arith.subf %gather3A_21, %gather3A_22 : vector<16xf32>
      %swap3A_24 = arith.index_cast %mul3A_12 : i32 to index
      %swap3A_25 = tpu.vector_load %arg14[%swap3A_24] {strides = array<i32>} : memref<8192xf32, #tpu.memory_space<vmem>>, vector<16xf32>,
      tpu.vector_store %arg14[%swap3A_24], %sub3A_23 {strides = array<i32>} : memref<8192xf32, #tpu.memory_space<vmem>>, vector<16xf32>,
      %gather3A_26 = tpu.vector_load_idx %arg11[%get3A_13] : memref<8192xf32, #tpu.memory_space<vmem>>[vector<16xi32>], vector<16xf32>,
      %gather3A_27 = tpu.vector_load_idx %arg11[%shift_right_logical3A_18] : memref<8192xf32, #tpu.memory_space<vmem>>[vector<16xi32>], vector<16xf32>,
      %sub3A_28 = arith.subf %gather3A_26, %gather3A_27 : vector<16xf32>
      %swap3A_29 = arith.index_cast %mul3A_12 : i32 to index
      %swap3A_30 = tpu.vector_load %arg15[%swap3A_29] {strides = array<i32>} : memref<8192xf32, #tpu.memory_space<vmem>>, vector<16xf32>,
      tpu.vector_store %arg15[%swap3A_29], %sub3A_28 {strides = array<i32>} : memref<8192xf32, #tpu.memory_space<vmem>>, vector<16xf32>,
      %scan3A_31 = arith.constant 0 : i32
      scf.yield %scan3A_31 : i32
    }
    %scan3A_8 = arith.constant 512 : i32
    "tpu.region"() ({
      %run_scoped3A = tpu.sem_alloc : memref<!tpu.dma_semaphore, #tpu.memory_space<semaphore_mem>>
      %dma_start3A = tpu.memref_slice %arg6[%mul3A_2] : memref<262144xf32, #tpu.memory_space<hbm>> -> memref<8192xf32, #tpu.memory_space<hbm>>
      %dma_start3A_9 = tpu.memref_slice %arg6[%mul3A_2] : memref<262144xf32, #tpu.memory_space<hbm>> -> memref<8192xf32, #tpu.memory_space<hbm>>
      tpu.enqueue_dma source(%arg13 : memref<8192xf32, #tpu.memory_space<vmem>>) target(%dma_start3A_9 : memref<8192xf32, #tpu.memory_space<hbm>>) target_semaphore(%run_scoped3A : memref<!tpu.dma_semaphore, #tpu.memory_space<semaphore_mem>>)
      %dma_wait3A = tpu.memref_slice %arg6[%mul3A_2] : memref<262144xf32, #tpu.memory_space<hbm>> -> memref<8192xf32, #tpu.memory_space<hbm>>
      %dma_wait3A_10 = tpu.memref_slice %arg6[%mul3A_2] : memref<262144xf32, #tpu.memory_space<hbm>> -> memref<8192xf32, #tpu.memory_space<hbm>>
      tpu.wait_dma2 semaphore(%run_scoped3A : memref<!tpu.dma_semaphore, #tpu.memory_space<semaphore_mem>>) src(%arg13 : memref<8192xf32, #tpu.memory_space<vmem>>) dst(%dma_wait3A_10 : memref<8192xf32, #tpu.memory_space<hbm>>)
      tpu.yield
    }) : () -> ()
    "tpu.region"() ({
      %run_scoped3A = tpu.sem_alloc : memref<!tpu.dma_semaphore, #tpu.memory_space<semaphore_mem>>
      %dma_start3A = tpu.memref_slice %arg7[%mul3A_2] : memref<262144xf32, #tpu.memory_space<hbm>> -> memref<8192xf32, #tpu.memory_space<hbm>>
      %dma_start3A_9 = tpu.memref_slice %arg7[%mul3A_2] : memref<262144xf32, #tpu.memory_space<hbm>> -> memref<8192xf32, #tpu.memory_space<hbm>>
      tpu.enqueue_dma source(%arg14 : memref<8192xf32, #tpu.memory_space<vmem>>) target(%dma_start3A_9 : memref<8192xf32, #tpu.memory_space<hbm>>) target_semaphore(%run_scoped3A : memref<!tpu.dma_semaphore, #tpu.memory_space<semaphore_mem>>)
      %dma_wait3A = tpu.memref_slice %arg7[%mul3A_2] : memref<262144xf32, #tpu.memory_space<hbm>> -> memref<8192xf32, #tpu.memory_space<hbm>>
      %dma_wait3A_10 = tpu.memref_slice %arg7[%mul3A_2] : memref<262144xf32, #tpu.memory_space<hbm>> -> memref<8192xf32, #tpu.memory_space<hbm>>
      tpu.wait_dma2 semaphore(%run_scoped3A : memref<!tpu.dma_semaphore, #tpu.memory_space<semaphore_mem>>) src(%arg14 : memref<8192xf32, #tpu.memory_space<vmem>>) dst(%dma_wait3A_10 : memref<8192xf32, #tpu.memory_space<hbm>>)
      tpu.yield
    }) : () -> ()
    "tpu.region"() ({
      %run_scoped3A = tpu.sem_alloc : memref<!tpu.dma_semaphore, #tpu.memory_space<semaphore_mem>>
      %dma_start3A = tpu.memref_slice %arg8[%mul3A_2] : memref<262144xf32, #tpu.memory_space<hbm>> -> memref<8192xf32, #tpu.memory_space<hbm>>
      %dma_start3A_9 = tpu.memref_slice %arg8[%mul3A_2] : memref<262144xf32, #tpu.memory_space<hbm>> -> memref<8192xf32, #tpu.memory_space<hbm>>
      tpu.enqueue_dma source(%arg15 : memref<8192xf32, #tpu.memory_space<vmem>>) target(%dma_start3A_9 : memref<8192xf32, #tpu.memory_space<hbm>>) target_semaphore(%run_scoped3A : memref<!tpu.dma_semaphore, #tpu.memory_space<semaphore_mem>>)
      %dma_wait3A = tpu.memref_slice %arg8[%mul3A_2] : memref<262144xf32, #tpu.memory_space<hbm>> -> memref<8192xf32, #tpu.memory_space<hbm>>
      %dma_wait3A_10 = tpu.memref_slice %arg8[%mul3A_2] : memref<262144xf32, #tpu.memory_space<hbm>> -> memref<8192xf32, #tpu.memory_space<hbm>>
      tpu.wait_dma2 semaphore(%run_scoped3A : memref<!tpu.dma_semaphore, #tpu.memory_space<semaphore_mem>>) src(%arg15 : memref<8192xf32, #tpu.memory_space<vmem>>) dst(%dma_wait3A_10 : memref<8192xf32, #tpu.memory_space<hbm>>)
      tpu.yield
    }) : () -> ()
    return
  }
}

module attributes {stable_mosaic.version = 14 : i64} {
  func.func @_topk_body(%arg0: i32, %arg1: memref<3x8192xf32, #tpu.memory_space<vmem>>, %arg2: memref<1x8192xi32, #tpu.memory_space<vmem>>, %arg3: memref<64x128x3xf32, #tpu.memory_space<vmem>>, %arg4: memref<64x128x1xi32, #tpu.memory_space<vmem>>, %arg5: memref<32x32x256xi32, #tpu.memory_space<vmem>>, %arg6: memref<32x32x256xf32, #tpu.memory_space<vmem>>, %arg7: memref<64x128x256xf32, #tpu.memory_space<vmem>>, %arg8: memref<32x32x256xi32, #tpu.memory_space<vmem>>, %arg9: memref<32x32x256xf32, #tpu.memory_space<vmem>>) attributes {dimension_semantics = [#tpu.dimension_semantics<arbitrary>], iteration_bounds = array<i64: 16>, scalar_prefetch = 0 : i64, scratch_operands = 3 : i64, tpu.core_type = #tpu.core_type<tc>, window_params = [{pipeline_mode = #tpu.pipeline_mode<synchronous>, transform_indices = @transform_0, window_bounds = array<i64: 3, 8192>}, {pipeline_mode = #tpu.pipeline_mode<synchronous>, transform_indices = @transform_1, window_bounds = array<i64: 1, 8192>}, {pipeline_mode = #tpu.pipeline_mode<synchronous>, transform_indices = @transform_2, window_bounds = array<i64: 64, 128, 3>}, {pipeline_mode = #tpu.pipeline_mode<synchronous>, transform_indices = @transform_3, window_bounds = array<i64: 64, 128, 1>}, {pipeline_mode = #tpu.pipeline_mode<synchronous>, transform_indices = @transform_4, window_bounds = array<i64: 32, 32, 256>}, {pipeline_mode = #tpu.pipeline_mode<synchronous>, transform_indices = @transform_5, window_bounds = array<i64: 32, 32, 256>}]} {
    %get3A = arith.constant 0 : index
    %get3A_0 = arith.constant 0 : index
    %get3A_1 = vector.load %arg2[%get3A, %get3A_0] : memref<1x8192xi32, #tpu.memory_space<vmem>>, vector<1x8192xi32>
    %lt3A = vector.broadcast %arg0 : i32 to vector<1x8192xi32>
    %lt3A_2 = arith.cmpi slt, %get3A_1, %lt3A : vector<1x8192xi32>
    %convert_element_type3A = arith.extui %lt3A_2 : vector<1x8192xi1> to vector<1x8192xi32>
    %reduce_sum3A = vector.shape_cast %convert_element_type3A : vector<1x8192xi32> to vector<1x1x8192xi32>
    %reduce_sum3A_3 = arith.constant dense<0> : vector<1xi32>
    %reduce_sum3A_4 = vector.multi_reduction <add>, %reduce_sum3A, %reduce_sum3A_3 [1, 2] : vector<1x1x8192xi32> to vector<1xi32>
    %reduce_sum3A_5 = vector.shape_cast %reduce_sum3A_4 : vector<1xi32> to vector<1x1x1xi32>
    %reduce_sum3A_6 = vector.extract %reduce_sum3A_5[0, 0, 0] : i32 from vector<1x1x1xi32>
    %le3A = vector.broadcast %arg0 : i32 to vector<1x8192xi32>
    %le3A_7 = arith.cmpi sle, %get3A_1, %le3A : vector<1x8192xi32>
    %convert_element_type3A_8 = arith.extui %le3A_7 : vector<1x8192xi1> to vector<1x8192xi32>
    %reduce_sum3A_9 = vector.shape_cast %convert_element_type3A_8 : vector<1x8192xi32> to vector<1x1x8192xi32>
    %reduce_sum3A_10 = arith.constant dense<0> : vector<1xi32>
    %reduce_sum3A_11 = vector.multi_reduction <add>, %reduce_sum3A_9, %reduce_sum3A_10 [1, 2] : vector<1x1x8192xi32> to vector<1xi32>
    %reduce_sum3A_12 = vector.shape_cast %reduce_sum3A_11 : vector<1xi32> to vector<1x1x1xi32>
    %reduce_sum3A_13 = vector.extract %reduce_sum3A_12[0, 0, 0] : i32 from vector<1x1x1xi32>
    %jit3A = arith.constant 128 : i32
    %div3A = arith.divsi %reduce_sum3A_6, %jit3A : i32
    %sign3A = arith.constant 0 : i32
    %sign3A_14 = arith.cmpi sgt, %reduce_sum3A_6, %sign3A : i32
    %sign3A_15 = arith.extui %sign3A_14 : i1 to i32
    %sign3A_16 = arith.constant 0 : i32
    %sign3A_17 = arith.cmpi slt, %reduce_sum3A_6, %sign3A_16 : i32
    %sign3A_18 = arith.extui %sign3A_17 : i1 to i32
    %sign3A_19 = arith.subi %sign3A_15, %sign3A_18 : i32
    %sign3A_20 = arith.constant 0 : i32
    %sign3A_21 = arith.cmpi sgt, %jit3A, %sign3A_20 : i32
    %sign3A_22 = arith.extui %sign3A_21 : i1 to i32
    %sign3A_23 = arith.constant 0 : i32
    %sign3A_24 = arith.cmpi slt, %jit3A, %sign3A_23 : i32
    %sign3A_25 = arith.extui %sign3A_24 : i1 to i32
    %sign3A_26 = arith.subi %sign3A_22, %sign3A_25 : i32
    %ne3A = arith.cmpi ne, %sign3A_19, %sign3A_26 : i32
    %rem3A = arith.remsi %reduce_sum3A_6, %jit3A : i32
    %ne3A_27 = arith.constant 0 : i32
    %ne3A_28 = arith.cmpi ne, %rem3A, %ne3A_27 : i32
    %and3A = arith.andi %ne3A, %ne3A_28 : i1
    %sub3A = arith.constant 1 : i32
    %sub3A_29 = arith.subi %div3A, %sub3A : i32
    %select_n3A = arith.select %and3A, %sub3A_29, %div3A : i32
    %add3A = arith.constant 128 : i32
    %add3A_30 = arith.addi %reduce_sum3A_13, %add3A : i32
    %sub3A_31 = arith.constant 1 : i32
    %sub3A_32 = arith.subi %add3A_30, %sub3A_31 : i32
    %jit3A_33 = arith.constant 128 : i32
    %div3A_34 = arith.divsi %sub3A_32, %jit3A_33 : i32
    %sign3A_35 = arith.constant 0 : i32
    %sign3A_36 = arith.cmpi sgt, %sub3A_32, %sign3A_35 : i32
    %sign3A_37 = arith.extui %sign3A_36 : i1 to i32
    %sign3A_38 = arith.constant 0 : i32
    %sign3A_39 = arith.cmpi slt, %sub3A_32, %sign3A_38 : i32
    %sign3A_40 = arith.extui %sign3A_39 : i1 to i32
    %sign3A_41 = arith.subi %sign3A_37, %sign3A_40 : i32
    %sign3A_42 = arith.constant 0 : i32
    %sign3A_43 = arith.cmpi sgt, %jit3A_33, %sign3A_42 : i32
    %sign3A_44 = arith.extui %sign3A_43 : i1 to i32
    %sign3A_45 = arith.constant 0 : i32
    %sign3A_46 = arith.cmpi slt, %jit3A_33, %sign3A_45 : i32
    %sign3A_47 = arith.extui %sign3A_46 : i1 to i32
    %sign3A_48 = arith.subi %sign3A_44, %sign3A_47 : i32
    %ne3A_49 = arith.cmpi ne, %sign3A_41, %sign3A_48 : i32
    %rem3A_50 = arith.remsi %sub3A_32, %jit3A_33 : i32
    %ne3A_51 = arith.constant 0 : i32
    %ne3A_52 = arith.cmpi ne, %rem3A_50, %ne3A_51 : i32
    %and3A_53 = arith.andi %ne3A_49, %ne3A_52 : i1
    %sub3A_54 = arith.constant 1 : i32
    %sub3A_55 = arith.subi %div3A_34, %sub3A_54 : i32
    %select_n3A_56 = arith.select %and3A_53, %sub3A_55, %div3A_34 : i32
    %jit3A_57 = arith.constant 256 : i32
    %div3A_58 = arith.divsi %reduce_sum3A_6, %jit3A_57 : i32
    %sign3A_59 = arith.constant 0 : i32
    %sign3A_60 = arith.cmpi sgt, %reduce_sum3A_6, %sign3A_59 : i32
    %sign3A_61 = arith.extui %sign3A_60 : i1 to i32
    %sign3A_62 = arith.constant 0 : i32
    %sign3A_63 = arith.cmpi slt, %reduce_sum3A_6, %sign3A_62 : i32
    %sign3A_64 = arith.extui %sign3A_63 : i1 to i32
    %sign3A_65 = arith.subi %sign3A_61, %sign3A_64 : i32
    %sign3A_66 = arith.constant 0 : i32
    %sign3A_67 = arith.cmpi sgt, %jit3A_57, %sign3A_66 : i32
    %sign3A_68 = arith.extui %sign3A_67 : i1 to i32
    %sign3A_69 = arith.constant 0 : i32
    %sign3A_70 = arith.cmpi slt, %jit3A_57, %sign3A_69 : i32
    %sign3A_71 = arith.extui %sign3A_70 : i1 to i32
    %sign3A_72 = arith.subi %sign3A_68, %sign3A_71 : i32
    %ne3A_73 = arith.cmpi ne, %sign3A_65, %sign3A_72 : i32
    %rem3A_74 = arith.remsi %reduce_sum3A_6, %jit3A_57 : i32
    %ne3A_75 = arith.constant 0 : i32
    %ne3A_76 = arith.cmpi ne, %rem3A_74, %ne3A_75 : i32
    %and3A_77 = arith.andi %ne3A_73, %ne3A_76 : i1
    %sub3A_78 = arith.constant 1 : i32
    %sub3A_79 = arith.subi %div3A_58, %sub3A_78 : i32
    %select_n3A_80 = arith.select %and3A_77, %sub3A_79, %div3A_58 : i32
    %add3A_81 = arith.constant 256 : i32
    %add3A_82 = arith.addi %reduce_sum3A_13, %add3A_81 : i32
    %sub3A_83 = arith.constant 1 : i32
    %sub3A_84 = arith.subi %add3A_82, %sub3A_83 : i32
    %jit3A_85 = arith.constant 256 : i32
    %div3A_86 = arith.divsi %sub3A_84, %jit3A_85 : i32
    %sign3A_87 = arith.constant 0 : i32
    %sign3A_88 = arith.cmpi sgt, %sub3A_84, %sign3A_87 : i32
    %sign3A_89 = arith.extui %sign3A_88 : i1 to i32
    %sign3A_90 = arith.constant 0 : i32
    %sign3A_91 = arith.cmpi slt, %sub3A_84, %sign3A_90 : i32
    %sign3A_92 = arith.extui %sign3A_91 : i1 to i32
    %sign3A_93 = arith.subi %sign3A_89, %sign3A_92 : i32
    %sign3A_94 = arith.constant 0 : i32
    %sign3A_95 = arith.cmpi sgt, %jit3A_85, %sign3A_94 : i32
    %sign3A_96 = arith.extui %sign3A_95 : i1 to i32
    %sign3A_97 = arith.constant 0 : i32
    %sign3A_98 = arith.cmpi slt, %jit3A_85, %sign3A_97 : i32
    %sign3A_99 = arith.extui %sign3A_98 : i1 to i32
    %sign3A_100 = arith.subi %sign3A_96, %sign3A_99 : i32
    %ne3A_101 = arith.cmpi ne, %sign3A_93, %sign3A_100 : i32
    %rem3A_102 = arith.remsi %sub3A_84, %jit3A_85 : i32
    %ne3A_103 = arith.constant 0 : i32
    %ne3A_104 = arith.cmpi ne, %rem3A_102, %ne3A_103 : i32
    %and3A_105 = arith.andi %ne3A_101, %ne3A_104 : i1
    %sub3A_106 = arith.constant 1 : i32
    %sub3A_107 = arith.subi %div3A_86, %sub3A_106 : i32
    %select_n3A_108 = arith.select %and3A_105, %sub3A_107, %div3A_86 : i32
    %iota3A = tpu.iota {dimensions = array<i32: 0>} : vector<128x1xi32>
    %iota3A_109 = tpu.iota {dimensions = array<i32: 1>} : vector<1x256xi32>
    %iota3A_110 = tpu.iota {dimensions = array<i32: 0>} : vector<32x1xi32>
    %while3A = arith.constant 0x7F800000 : f32
    %while3A_111 = arith.constant 0 : i32
    %while3A_112 = arith.subi %select_n3A_108, %select_n3A_80 : i32
    %while3A_113 = arith.addi %select_n3A_80, %while3A_112 : i32
    %while3A_114 = arith.constant 1 : i32
    %while3A_115 = arith.divsi %while3A_112, %while3A_114 : i32
    %while3A_116 = arith.muli %while3A_115, %while3A_114 : i32
    %while3A_117 = arith.addi %select_n3A_80, %while3A_116 : i32
    %while3A_118 = arith.constant 1 : i32
    %while3A_119 = scf.for %while3A_125 = %select_n3A_80 to %while3A_117 step %while3A_118 iter_args(%while3A_126 = %while3A_111) -> (i32)  : i32 {
      %mul3A = arith.constant 256 : i32
      %mul3A_127 = arith.muli %while3A_125, %mul3A : i32
      %get3A_128 = arith.constant 0 : index
      %get3A_129 = arith.index_cast %mul3A_127 : i32 to index
      %get3A_130 = vector.load %arg1[%get3A_128, %get3A_129] : memref<3x8192xf32, #tpu.memory_space<vmem>>, vector<1x256xf32>
      %get3A_131 = arith.constant 1 : index
      %get3A_132 = arith.index_cast %mul3A_127 : i32 to index
      %get3A_133 = vector.load %arg1[%get3A_131, %get3A_132] : memref<3x8192xf32, #tpu.memory_space<vmem>>, vector<1x256xf32>
      %get3A_134 = arith.constant 2 : index
      %get3A_135 = arith.index_cast %mul3A_127 : i32 to index
      %get3A_136 = vector.load %arg1[%get3A_134, %get3A_135] : memref<3x8192xf32, #tpu.memory_space<vmem>>, vector<1x256xf32>
      %get3A_137 = arith.constant 0 : index
      %get3A_138 = arith.index_cast %mul3A_127 : i32 to index
      %get3A_139 = vector.load %arg2[%get3A_137, %get3A_138] : memref<1x8192xi32, #tpu.memory_space<vmem>>, vector<1x256xi32>
      %eq3A_140 = vector.broadcast %arg0 : i32 to vector<1x256xi32>
      %eq3A_141 = arith.cmpi eq, %get3A_139, %eq3A_140 : vector<1x256xi32>
      %add3A_142 = vector.broadcast %mul3A_127 : i32 to vector<1x256xi32>
      %add3A_143 = arith.addi %add3A_142, %iota3A_109 : vector<1x256xi32>
      %while3A_144 = arith.constant 0 : i32
      %while3A_145 = arith.subi %select_n3A_56, %select_n3A : i32
      %while3A_146 = arith.addi %select_n3A, %while3A_145 : i32
      %while3A_147 = arith.constant 1 : i32
      %while3A_148 = arith.divsi %while3A_145, %while3A_147 : i32
      %while3A_149 = arith.muli %while3A_148, %while3A_147 : i32
      %while3A_150 = arith.addi %select_n3A, %while3A_149 : i32
      %while3A_151 = arith.constant 1 : i32
      %while3A_152 = scf.for %while3A_193 = %select_n3A to %while3A_150 step %while3A_151 iter_args(%while3A_194 = %while3A_144) -> (i32)  : i32 {
        %get3A_195 = arith.index_cast %while3A_193 : i32 to index
        %get3A_196 = arith.constant 0 : index
        %get3A_197 = arith.constant 0 : index
        %get3A_198 = vector.load %arg3[%get3A_195, %get3A_196, %get3A_197] : memref<64x128x3xf32, #tpu.memory_space<vmem>>, vector<1x128x1xf32>
        %get3A_199 = vector.shape_cast %get3A_198 : vector<1x128x1xf32> to vector<128x1xf32>
        %get3A_200 = arith.index_cast %while3A_193 : i32 to index
        %get3A_201 = arith.constant 0 : index
        %get3A_202 = arith.constant 1 : index
        %get3A_203 = vector.load %arg3[%get3A_200, %get3A_201, %get3A_202] : memref<64x128x3xf32, #tpu.memory_space<vmem>>, vector<1x128x1xf32>
        %get3A_204 = vector.shape_cast %get3A_203 : vector<1x128x1xf32> to vector<128x1xf32>
        %get3A_205 = arith.index_cast %while3A_193 : i32 to index
        %get3A_206 = arith.constant 0 : index
        %get3A_207 = arith.constant 2 : index
        %get3A_208 = vector.load %arg3[%get3A_205, %get3A_206, %get3A_207] : memref<64x128x3xf32, #tpu.memory_space<vmem>>, vector<1x128x1xf32>
        %get3A_209 = vector.shape_cast %get3A_208 : vector<1x128x1xf32> to vector<128x1xf32>
        %sub3A_210 = vector.broadcast %get3A_130 : vector<1x256xf32> to vector<128x256xf32>
        %sub3A_211 = vector.broadcast %get3A_199 : vector<128x1xf32> to vector<128x256xf32>
        %sub3A_212 = arith.subf %sub3A_210, %sub3A_211 : vector<128x256xf32>
        %sub3A_213 = vector.broadcast %get3A_133 : vector<1x256xf32> to vector<128x256xf32>
        %sub3A_214 = vector.broadcast %get3A_204 : vector<128x1xf32> to vector<128x256xf32>
        %sub3A_215 = arith.subf %sub3A_213, %sub3A_214 : vector<128x256xf32>
        %sub3A_216 = vector.broadcast %get3A_136 : vector<1x256xf32> to vector<128x256xf32>
        %sub3A_217 = vector.broadcast %get3A_209 : vector<128x1xf32> to vector<128x256xf32>
        %sub3A_218 = arith.subf %sub3A_216, %sub3A_217 : vector<128x256xf32>
        %mul3A_219 = arith.mulf %sub3A_212, %sub3A_212 : vector<128x256xf32>
        %mul3A_220 = arith.mulf %sub3A_215, %sub3A_215 : vector<128x256xf32>
        %add3A_221 = arith.addf %mul3A_219, %mul3A_220 : vector<128x256xf32>
        %mul3A_222 = arith.mulf %sub3A_218, %sub3A_218 : vector<128x256xf32>
        %add3A_223 = arith.addf %add3A_221, %mul3A_222 : vector<128x256xf32>
        %get3A_224 = arith.index_cast %while3A_193 : i32 to index
        %get3A_225 = arith.constant 0 : index
        %get3A_226 = arith.constant 0 : index
        %get3A_227 = vector.load %arg4[%get3A_224, %get3A_225, %get3A_226] : memref<64x128x1xi32, #tpu.memory_space<vmem>>, vector<1x128x1xi32>
        %get3A_228 = vector.shape_cast %get3A_227 : vector<1x128x1xi32> to vector<128x1xi32>
        %eq3A_229 = vector.broadcast %arg0 : i32 to vector<128x1xi32>
        %eq3A_230 = arith.cmpi eq, %get3A_228, %eq3A_229 : vector<128x1xi32>
        %and3A_231 = vector.broadcast %eq3A_230 : vector<128x1xi1> to vector<128x256xi1>
        %and3A_232 = vector.broadcast %eq3A_141 : vector<1x256xi1> to vector<128x256xi1>
        %and3A_233 = arith.andi %and3A_231, %and3A_232 : vector<128x256xi1>
        %le3A_234 = arith.constant 2.500000e+01 : f32
        %le3A_235 = vector.broadcast %le3A_234 : f32 to vector<128x256xf32>
        %le3A_236 = arith.cmpf ole, %add3A_223, %le3A_235 : vector<128x256xf32>
        %and3A_237 = arith.andi %and3A_233, %le3A_236 : vector<128x256xi1>
        %broadcast_in_dim3A_238 = vector.broadcast %while3A : f32 to vector<128x256xf32>
        %select_n3A_239 = arith.select %and3A_237, %add3A_223, %broadcast_in_dim3A_238 : vector<128x256xi1>, vector<128x256xf32>
        %swap3A_240 = arith.index_cast %while3A_193 : i32 to index
        %swap3A_241 = arith.constant 0 : index
        %swap3A_242 = arith.constant 0 : index
        %swap3A_243 = vector.load %arg7[%swap3A_240, %swap3A_241, %swap3A_242] : memref<64x128x256xf32, #tpu.memory_space<vmem>>, vector<1x128x256xf32>
        %swap3A_244 = vector.shape_cast %swap3A_243 : vector<1x128x256xf32> to vector<128x256xf32>
        %swap3A_245 = vector.shape_cast %select_n3A_239 : vector<128x256xf32> to vector<1x128x256xf32>
        tpu.vector_store %arg7[%swap3A_240, %swap3A_241, %swap3A_242], %swap3A_245 {strides = array<i32>} : memref<64x128x256xf32, #tpu.memory_space<vmem>>, vector<1x128x256xf32>,
        %while3A_246 = arith.constant 0 : i32
        scf.yield %while3A_246 : i32
      }
      %while3A_153 = arith.constant 1 : i32
      %while3A_154 = scf.for %while3A_193 = %while3A_150 to %while3A_146 step %while3A_153 iter_args(%while3A_194 = %while3A_152) -> (i32)  : i32 {
        %get3A_195 = arith.index_cast %while3A_193 : i32 to index
        %get3A_196 = arith.constant 0 : index
        %get3A_197 = arith.constant 0 : index
        %get3A_198 = vector.load %arg3[%get3A_195, %get3A_196, %get3A_197] : memref<64x128x3xf32, #tpu.memory_space<vmem>>, vector<1x128x1xf32>
        %get3A_199 = vector.shape_cast %get3A_198 : vector<1x128x1xf32> to vector<128x1xf32>
        %get3A_200 = arith.index_cast %while3A_193 : i32 to index
        %get3A_201 = arith.constant 0 : index
        %get3A_202 = arith.constant 1 : index
        %get3A_203 = vector.load %arg3[%get3A_200, %get3A_201, %get3A_202] : memref<64x128x3xf32, #tpu.memory_space<vmem>>, vector<1x128x1xf32>
        %get3A_204 = vector.shape_cast %get3A_203 : vector<1x128x1xf32> to vector<128x1xf32>
        %get3A_205 = arith.index_cast %while3A_193 : i32 to index
        %get3A_206 = arith.constant 0 : index
        %get3A_207 = arith.constant 2 : index
        %get3A_208 = vector.load %arg3[%get3A_205, %get3A_206, %get3A_207] : memref<64x128x3xf32, #tpu.memory_space<vmem>>, vector<1x128x1xf32>
        %get3A_209 = vector.shape_cast %get3A_208 : vector<1x128x1xf32> to vector<128x1xf32>
        %sub3A_210 = vector.broadcast %get3A_130 : vector<1x256xf32> to vector<128x256xf32>
        %sub3A_211 = vector.broadcast %get3A_199 : vector<128x1xf32> to vector<128x256xf32>
        %sub3A_212 = arith.subf %sub3A_210, %sub3A_211 : vector<128x256xf32>
        %sub3A_213 = vector.broadcast %get3A_133 : vector<1x256xf32> to vector<128x256xf32>
        %sub3A_214 = vector.broadcast %get3A_204 : vector<128x1xf32> to vector<128x256xf32>
        %sub3A_215 = arith.subf %sub3A_213, %sub3A_214 : vector<128x256xf32>
        %sub3A_216 = vector.broadcast %get3A_136 : vector<1x256xf32> to vector<128x256xf32>
        %sub3A_217 = vector.broadcast %get3A_209 : vector<128x1xf32> to vector<128x256xf32>
        %sub3A_218 = arith.subf %sub3A_216, %sub3A_217 : vector<128x256xf32>
        %mul3A_219 = arith.mulf %sub3A_212, %sub3A_212 : vector<128x256xf32>
        %mul3A_220 = arith.mulf %sub3A_215, %sub3A_215 : vector<128x256xf32>
        %add3A_221 = arith.addf %mul3A_219, %mul3A_220 : vector<128x256xf32>
        %mul3A_222 = arith.mulf %sub3A_218, %sub3A_218 : vector<128x256xf32>
        %add3A_223 = arith.addf %add3A_221, %mul3A_222 : vector<128x256xf32>
        %get3A_224 = arith.index_cast %while3A_193 : i32 to index
        %get3A_225 = arith.constant 0 : index
        %get3A_226 = arith.constant 0 : index
        %get3A_227 = vector.load %arg4[%get3A_224, %get3A_225, %get3A_226] : memref<64x128x1xi32, #tpu.memory_space<vmem>>, vector<1x128x1xi32>
        %get3A_228 = vector.shape_cast %get3A_227 : vector<1x128x1xi32> to vector<128x1xi32>
        %eq3A_229 = vector.broadcast %arg0 : i32 to vector<128x1xi32>
        %eq3A_230 = arith.cmpi eq, %get3A_228, %eq3A_229 : vector<128x1xi32>
        %and3A_231 = vector.broadcast %eq3A_230 : vector<128x1xi1> to vector<128x256xi1>
        %and3A_232 = vector.broadcast %eq3A_141 : vector<1x256xi1> to vector<128x256xi1>
        %and3A_233 = arith.andi %and3A_231, %and3A_232 : vector<128x256xi1>
        %le3A_234 = arith.constant 2.500000e+01 : f32
        %le3A_235 = vector.broadcast %le3A_234 : f32 to vector<128x256xf32>
        %le3A_236 = arith.cmpf ole, %add3A_223, %le3A_235 : vector<128x256xf32>
        %and3A_237 = arith.andi %and3A_233, %le3A_236 : vector<128x256xi1>
        %broadcast_in_dim3A_238 = vector.broadcast %while3A : f32 to vector<128x256xf32>
        %select_n3A_239 = arith.select %and3A_237, %add3A_223, %broadcast_in_dim3A_238 : vector<128x256xi1>, vector<128x256xf32>
        %swap3A_240 = arith.index_cast %while3A_193 : i32 to index
        %swap3A_241 = arith.constant 0 : index
        %swap3A_242 = arith.constant 0 : index
        %swap3A_243 = vector.load %arg7[%swap3A_240, %swap3A_241, %swap3A_242] : memref<64x128x256xf32, #tpu.memory_space<vmem>>, vector<1x128x256xf32>
        %swap3A_244 = vector.shape_cast %swap3A_243 : vector<1x128x256xf32> to vector<128x256xf32>
        %swap3A_245 = vector.shape_cast %select_n3A_239 : vector<128x256xf32> to vector<1x128x256xf32>
        tpu.vector_store %arg7[%swap3A_240, %swap3A_241, %swap3A_242], %swap3A_245 {strides = array<i32>} : memref<64x128x256xf32, #tpu.memory_space<vmem>>, vector<1x128x256xf32>,
        %while3A_246 = arith.constant 0 : i32
        scf.yield %while3A_246 : i32
      }
      %broadcast_in_dim3A = vector.shape_cast %add3A_143 : vector<1x256xi32> to vector<1x256xi32>
      %broadcast_in_dim3A_155 = vector.broadcast %broadcast_in_dim3A : vector<1x256xi32> to vector<32x256xi32>
      %broadcast_in_dim3A_156 = arith.constant 0.000000e+00 : f32
      %broadcast_in_dim3A_157 = vector.broadcast %broadcast_in_dim3A_156 : f32 to vector<32x256xf32>
      %broadcast_in_dim3A_158 = arith.constant 0xFF800000 : f32
      %broadcast_in_dim3A_159 = vector.broadcast %broadcast_in_dim3A_158 : f32 to vector<1x256xf32>
      %broadcast_in_dim3A_160 = arith.constant -1 : i32
      %broadcast_in_dim3A_161 = vector.broadcast %broadcast_in_dim3A_160 : i32 to vector<1x256xi32>
      %while3A_162 = arith.constant 0 : i32
      %while3A_163 = arith.constant true
      %while3A_164:6 = scf.while (%while3A_193 = %while3A_162, %while3A_194 = %while3A_163, %while3A_195 = %broadcast_in_dim3A_159, %while3A_196 = %broadcast_in_dim3A_161, %while3A_197 = %broadcast_in_dim3A_155, %while3A_198 = %broadcast_in_dim3A_157) : (i32, i1, vector<1x256xf32>, vector<1x256xi32>, vector<32x256xi32>, vector<32x256xf32>) -> (i32, i1, vector<1x256xf32>, vector<1x256xi32>, vector<32x256xi32>, vector<32x256xf32>) {
        %lt3A_199 = arith.constant 32 : i32
        %lt3A_200 = arith.cmpi slt, %while3A_193, %lt3A_199 : i32
        %and3A_201 = arith.andi %lt3A_200, %while3A_194 : i1
        scf.condition(%and3A_201) %while3A_193, %while3A_194, %while3A_195, %while3A_196, %while3A_197, %while3A_198 : i32, i1, vector<1x256xf32>, vector<1x256xi32>, vector<32x256xi32>, vector<32x256xf32>
      } do {
      ^bb0(%while3A_193: i32, %while3A_194: i1, %while3A_195: vector<1x256xf32>, %while3A_196: vector<1x256xi32>, %while3A_197: vector<32x256xi32>, %while3A_198: vector<32x256xf32>):
        %broadcast_in_dim3A_199 = vector.broadcast %while3A : f32 to vector<1x256xf32>
        %broadcast_in_dim3A_200 = arith.constant 8192 : i32
        %broadcast_in_dim3A_201 = vector.broadcast %broadcast_in_dim3A_200 : i32 to vector<1x256xi32>
        %while3A_202 = arith.subi %select_n3A_56, %select_n3A : i32
        %while3A_203 = arith.addi %select_n3A, %while3A_202 : i32
        %while3A_204 = arith.constant 1 : i32
        %while3A_205 = arith.divsi %while3A_202, %while3A_204 : i32
        %while3A_206 = arith.muli %while3A_205, %while3A_204 : i32
        %while3A_207 = arith.addi %select_n3A, %while3A_206 : i32
        %while3A_208 = arith.constant 1 : i32
        %while3A_209:8 = scf.for %while3A_318 = %select_n3A to %while3A_207 step %while3A_208 iter_args(%while3A_319 = %broadcast_in_dim3A_199, %while3A_320 = %broadcast_in_dim3A_201, %while3A_321 = %broadcast_in_dim3A_199, %while3A_322 = %broadcast_in_dim3A_201, %while3A_323 = %broadcast_in_dim3A_199, %while3A_324 = %broadcast_in_dim3A_201, %while3A_325 = %broadcast_in_dim3A_199, %while3A_326 = %broadcast_in_dim3A_201) -> (vector<1x256xf32>, vector<1x256xi32>, vector<1x256xf32>, vector<1x256xi32>, vector<1x256xf32>, vector<1x256xi32>, vector<1x256xf32>, vector<1x256xi32>)  : i32 {
          %mul3A_327 = arith.constant 128 : i32
          %mul3A_328 = arith.muli %while3A_318, %mul3A_327 : i32
          %add3A_329 = vector.broadcast %mul3A_328 : i32 to vector<128x1xi32>
          %add3A_330 = arith.addi %iota3A, %add3A_329 : vector<128x1xi32>
          %get3A_331 = arith.index_cast %while3A_318 : i32 to index
          %get3A_332 = arith.constant 0 : index
          %get3A_333 = arith.constant 0 : index
          %get3A_334 = vector.load %arg7[%get3A_331, %get3A_332, %get3A_333] : memref<64x128x256xf32, #tpu.memory_space<vmem>>, vector<1x128x256xf32>
          %get3A_335 = vector.shape_cast %get3A_334 : vector<1x128x256xf32> to vector<128x256xf32>
          %gt3A = vector.broadcast %while3A_195 : vector<1x256xf32> to vector<128x256xf32>
          %gt3A_336 = arith.cmpf ogt, %get3A_335, %gt3A : vector<128x256xf32>
          %eq3A_337 = vector.broadcast %while3A_195 : vector<1x256xf32> to vector<128x256xf32>
          %eq3A_338 = arith.cmpf oeq, %get3A_335, %eq3A_337 : vector<128x256xf32>
          %gt3A_339 = vector.broadcast %add3A_330 : vector<128x1xi32> to vector<128x256xi32>
          %gt3A_340 = vector.broadcast %while3A_196 : vector<1x256xi32> to vector<128x256xi32>
          %gt3A_341 = arith.cmpi sgt, %gt3A_339, %gt3A_340 : vector<128x256xi32>
          %and3A_342 = arith.andi %eq3A_338, %gt3A_341 : vector<128x256xi1>
          %or3A = arith.ori %gt3A_336, %and3A_342 : vector<128x256xi1>
          %broadcast_in_dim3A_343 = vector.broadcast %while3A : f32 to vector<128x256xf32>
          %select_n3A_344 = arith.select %or3A, %get3A_335, %broadcast_in_dim3A_343 : vector<128x256xi1>, vector<128x256xf32>
          %reduce_min3A_345 = arith.constant dense<0x7F800000> : vector<256xf32>
          %reduce_min3A_346 = vector.multi_reduction <minimumf>, %select_n3A_344, %reduce_min3A_345 [0] : vector<128x256xf32> to vector<256xf32>
          %broadcast_in_dim3A_347 = vector.shape_cast %reduce_min3A_346 : vector<256xf32> to vector<1x256xf32>
          %eq3A_348 = vector.broadcast %broadcast_in_dim3A_347 : vector<1x256xf32> to vector<128x256xf32>
          %eq3A_349 = arith.cmpf oeq, %select_n3A_344, %eq3A_348 : vector<128x256xf32>
          %jit3A_350 = arith.constant 8192 : i32
          %broadcast_in_dim3A_351 = vector.shape_cast %add3A_330 : vector<128x1xi32> to vector<128x1xi32>
          %broadcast_in_dim3A_352 = vector.broadcast %broadcast_in_dim3A_351 : vector<128x1xi32> to vector<128x256xi32>
          %broadcast_in_dim3A_353 = vector.broadcast %jit3A_350 : i32 to vector<128x256xi32>
          %select_n3A_354 = arith.select %eq3A_349, %broadcast_in_dim3A_352, %broadcast_in_dim3A_353 : vector<128x256xi1>, vector<128x256xi32>
          %reduce_min3A_355 = arith.constant dense<2147483647> : vector<256xi32>
          %reduce_min3A_356 = vector.multi_reduction <minsi>, %select_n3A_354, %reduce_min3A_355 [0] : vector<128x256xi32> to vector<256xi32>
          %broadcast_in_dim3A_357 = vector.shape_cast %reduce_min3A_356 : vector<256xi32> to vector<1x256xi32>
          %eq3A_358 = vector.broadcast %add3A_330 : vector<128x1xi32> to vector<128x256xi32>
          %eq3A_359 = vector.broadcast %broadcast_in_dim3A_357 : vector<1x256xi32> to vector<128x256xi32>
          %eq3A_360 = arith.cmpi eq, %eq3A_358, %eq3A_359 : vector<128x256xi32>
          %broadcast_in_dim3A_361 = vector.broadcast %while3A : f32 to vector<128x256xf32>
          %select_n3A_362 = arith.select %eq3A_360, %broadcast_in_dim3A_361, %select_n3A_344 : vector<128x256xi1>, vector<128x256xf32>
          %reduce_min3A_363 = arith.constant dense<0x7F800000> : vector<256xf32>
          %reduce_min3A_364 = vector.multi_reduction <minimumf>, %select_n3A_362, %reduce_min3A_363 [0] : vector<128x256xf32> to vector<256xf32>
          %broadcast_in_dim3A_365 = vector.shape_cast %reduce_min3A_364 : vector<256xf32> to vector<1x256xf32>
          %eq3A_366 = vector.broadcast %broadcast_in_dim3A_365 : vector<1x256xf32> to vector<128x256xf32>
          %eq3A_367 = arith.cmpf oeq, %select_n3A_362, %eq3A_366 : vector<128x256xf32>
          %jit3A_368 = arith.constant 8192 : i32
          %broadcast_in_dim3A_369 = vector.shape_cast %add3A_330 : vector<128x1xi32> to vector<128x1xi32>
          %broadcast_in_dim3A_370 = vector.broadcast %broadcast_in_dim3A_369 : vector<128x1xi32> to vector<128x256xi32>
          %broadcast_in_dim3A_371 = vector.broadcast %jit3A_368 : i32 to vector<128x256xi32>
          %select_n3A_372 = arith.select %eq3A_367, %broadcast_in_dim3A_370, %broadcast_in_dim3A_371 : vector<128x256xi1>, vector<128x256xi32>
          %reduce_min3A_373 = arith.constant dense<2147483647> : vector<256xi32>
          %reduce_min3A_374 = vector.multi_reduction <minsi>, %select_n3A_372, %reduce_min3A_373 [0] : vector<128x256xi32> to vector<256xi32>
          %broadcast_in_dim3A_375 = vector.shape_cast %reduce_min3A_374 : vector<256xi32> to vector<1x256xi32>
          %eq3A_376 = vector.broadcast %add3A_330 : vector<128x1xi32> to vector<128x256xi32>
          %eq3A_377 = vector.broadcast %broadcast_in_dim3A_375 : vector<1x256xi32> to vector<128x256xi32>
          %eq3A_378 = arith.cmpi eq, %eq3A_376, %eq3A_377 : vector<128x256xi32>
          %broadcast_in_dim3A_379 = vector.broadcast %while3A : f32 to vector<128x256xf32>
          %select_n3A_380 = arith.select %eq3A_378, %broadcast_in_dim3A_379, %select_n3A_362 : vector<128x256xi1>, vector<128x256xf32>
          %reduce_min3A_381 = arith.constant dense<0x7F800000> : vector<256xf32>
          %reduce_min3A_382 = vector.multi_reduction <minimumf>, %select_n3A_380, %reduce_min3A_381 [0] : vector<128x256xf32> to vector<256xf32>
          %broadcast_in_dim3A_383 = vector.shape_cast %reduce_min3A_382 : vector<256xf32> to vector<1x256xf32>
          %eq3A_384 = vector.broadcast %broadcast_in_dim3A_383 : vector<1x256xf32> to vector<128x256xf32>
          %eq3A_385 = arith.cmpf oeq, %select_n3A_380, %eq3A_384 : vector<128x256xf32>
          %jit3A_386 = arith.constant 8192 : i32
          %broadcast_in_dim3A_387 = vector.shape_cast %add3A_330 : vector<128x1xi32> to vector<128x1xi32>
          %broadcast_in_dim3A_388 = vector.broadcast %broadcast_in_dim3A_387 : vector<128x1xi32> to vector<128x256xi32>
          %broadcast_in_dim3A_389 = vector.broadcast %jit3A_386 : i32 to vector<128x256xi32>
          %select_n3A_390 = arith.select %eq3A_385, %broadcast_in_dim3A_388, %broadcast_in_dim3A_389 : vector<128x256xi1>, vector<128x256xi32>
          %reduce_min3A_391 = arith.constant dense<2147483647> : vector<256xi32>
          %reduce_min3A_392 = vector.multi_reduction <minsi>, %select_n3A_390, %reduce_min3A_391 [0] : vector<128x256xi32> to vector<256xi32>
          %broadcast_in_dim3A_393 = vector.shape_cast %reduce_min3A_392 : vector<256xi32> to vector<1x256xi32>
          %eq3A_394 = vector.broadcast %add3A_330 : vector<128x1xi32> to vector<128x256xi32>
          %eq3A_395 = vector.broadcast %broadcast_in_dim3A_393 : vector<1x256xi32> to vector<128x256xi32>
          %eq3A_396 = arith.cmpi eq, %eq3A_394, %eq3A_395 : vector<128x256xi32>
          %broadcast_in_dim3A_397 = vector.broadcast %while3A : f32 to vector<128x256xf32>
          %select_n3A_398 = arith.select %eq3A_396, %broadcast_in_dim3A_397, %select_n3A_380 : vector<128x256xi1>, vector<128x256xf32>
          %reduce_min3A_399 = arith.constant dense<0x7F800000> : vector<256xf32>
          %reduce_min3A_400 = vector.multi_reduction <minimumf>, %select_n3A_398, %reduce_min3A_399 [0] : vector<128x256xf32> to vector<256xf32>
          %broadcast_in_dim3A_401 = vector.shape_cast %reduce_min3A_400 : vector<256xf32> to vector<1x256xf32>
          %eq3A_402 = vector.broadcast %broadcast_in_dim3A_401 : vector<1x256xf32> to vector<128x256xf32>
          %eq3A_403 = arith.cmpf oeq, %select_n3A_398, %eq3A_402 : vector<128x256xf32>
          %jit3A_404 = arith.constant 8192 : i32
          %broadcast_in_dim3A_405 = vector.shape_cast %add3A_330 : vector<128x1xi32> to vector<128x1xi32>
          %broadcast_in_dim3A_406 = vector.broadcast %broadcast_in_dim3A_405 : vector<128x1xi32> to vector<128x256xi32>
          %broadcast_in_dim3A_407 = vector.broadcast %jit3A_404 : i32 to vector<128x256xi32>
          %select_n3A_408 = arith.select %eq3A_403, %broadcast_in_dim3A_406, %broadcast_in_dim3A_407 : vector<128x256xi1>, vector<128x256xi32>
          %reduce_min3A_409 = arith.constant dense<2147483647> : vector<256xi32>
          %reduce_min3A_410 = vector.multi_reduction <minsi>, %select_n3A_408, %reduce_min3A_409 [0] : vector<128x256xi32> to vector<256xi32>
          %broadcast_in_dim3A_411 = vector.shape_cast %reduce_min3A_410 : vector<256xi32> to vector<1x256xi32>
          %eq3A_412 = vector.broadcast %add3A_330 : vector<128x1xi32> to vector<128x256xi32>
          %eq3A_413 = vector.broadcast %broadcast_in_dim3A_411 : vector<1x256xi32> to vector<128x256xi32>
          %eq3A_414 = arith.cmpi eq, %eq3A_412, %eq3A_413 : vector<128x256xi32>
          %broadcast_in_dim3A_415 = vector.broadcast %while3A : f32 to vector<128x256xf32>
          %select_n3A_416 = arith.select %eq3A_414, %broadcast_in_dim3A_415, %select_n3A_398 : vector<128x256xi1>, vector<128x256xf32>
          %lt3A_417 = arith.cmpf olt, %broadcast_in_dim3A_347, %while3A_319 : vector<1x256xf32>
          %eq3A_418 = arith.cmpf oeq, %broadcast_in_dim3A_347, %while3A_319 : vector<1x256xf32>
          %lt3A_419 = arith.cmpi slt, %broadcast_in_dim3A_357, %while3A_320 : vector<1x256xi32>
          %and3A_420 = arith.andi %eq3A_418, %lt3A_419 : vector<1x256xi1>
          %or3A_421 = arith.ori %lt3A_417, %and3A_420 : vector<1x256xi1>
          %lt3A_422 = arith.cmpf olt, %broadcast_in_dim3A_347, %while3A_321 : vector<1x256xf32>
          %eq3A_423 = arith.cmpf oeq, %broadcast_in_dim3A_347, %while3A_321 : vector<1x256xf32>
          %lt3A_424 = arith.cmpi slt, %broadcast_in_dim3A_357, %while3A_322 : vector<1x256xi32>
          %and3A_425 = arith.andi %eq3A_423, %lt3A_424 : vector<1x256xi1>
          %or3A_426 = arith.ori %lt3A_422, %and3A_425 : vector<1x256xi1>
          %lt3A_427 = arith.cmpf olt, %broadcast_in_dim3A_347, %while3A_323 : vector<1x256xf32>
          %eq3A_428 = arith.cmpf oeq, %broadcast_in_dim3A_347, %while3A_323 : vector<1x256xf32>
          %lt3A_429 = arith.cmpi slt, %broadcast_in_dim3A_357, %while3A_324 : vector<1x256xi32>
          %and3A_430 = arith.andi %eq3A_428, %lt3A_429 : vector<1x256xi1>
          %or3A_431 = arith.ori %lt3A_427, %and3A_430 : vector<1x256xi1>
          %lt3A_432 = arith.cmpf olt, %broadcast_in_dim3A_347, %while3A_325 : vector<1x256xf32>
          %eq3A_433 = arith.cmpf oeq, %broadcast_in_dim3A_347, %while3A_325 : vector<1x256xf32>
          %lt3A_434 = arith.cmpi slt, %broadcast_in_dim3A_357, %while3A_326 : vector<1x256xi32>
          %and3A_435 = arith.andi %eq3A_433, %lt3A_434 : vector<1x256xi1>
          %or3A_436 = arith.ori %lt3A_432, %and3A_435 : vector<1x256xi1>
          %select_n3A_437 = arith.select %or3A_421, %broadcast_in_dim3A_347, %while3A_319 : vector<1x256xi1>, vector<1x256xf32>
          %select_n3A_438 = arith.select %or3A_421, %broadcast_in_dim3A_357, %while3A_320 : vector<1x256xi1>, vector<1x256xi32>
          %select_n3A_439 = arith.select %or3A_426, %broadcast_in_dim3A_347, %while3A_321 : vector<1x256xi1>, vector<1x256xf32>
          %select_n3A_440 = arith.select %or3A_421, %while3A_319, %select_n3A_439 : vector<1x256xi1>, vector<1x256xf32>
          %select_n3A_441 = arith.select %or3A_426, %broadcast_in_dim3A_357, %while3A_322 : vector<1x256xi1>, vector<1x256xi32>
          %select_n3A_442 = arith.select %or3A_421, %while3A_320, %select_n3A_441 : vector<1x256xi1>, vector<1x256xi32>
          %select_n3A_443 = arith.select %or3A_431, %broadcast_in_dim3A_347, %while3A_323 : vector<1x256xi1>, vector<1x256xf32>
          %select_n3A_444 = arith.select %or3A_426, %while3A_321, %select_n3A_443 : vector<1x256xi1>, vector<1x256xf32>
          %select_n3A_445 = arith.select %or3A_431, %broadcast_in_dim3A_357, %while3A_324 : vector<1x256xi1>, vector<1x256xi32>
          %select_n3A_446 = arith.select %or3A_426, %while3A_322, %select_n3A_445 : vector<1x256xi1>, vector<1x256xi32>
          %select_n3A_447 = arith.select %or3A_436, %broadcast_in_dim3A_347, %while3A_325 : vector<1x256xi1>, vector<1x256xf32>
          %select_n3A_448 = arith.select %or3A_431, %while3A_323, %select_n3A_447 : vector<1x256xi1>, vector<1x256xf32>
          %select_n3A_449 = arith.select %or3A_436, %broadcast_in_dim3A_357, %while3A_326 : vector<1x256xi1>, vector<1x256xi32>
          %select_n3A_450 = arith.select %or3A_431, %while3A_324, %select_n3A_449 : vector<1x256xi1>, vector<1x256xi32>
          %lt3A_451 = arith.cmpf olt, %broadcast_in_dim3A_365, %select_n3A_437 : vector<1x256xf32>
          %eq3A_452 = arith.cmpf oeq, %broadcast_in_dim3A_365, %select_n3A_437 : vector<1x256xf32>
          %lt3A_453 = arith.cmpi slt, %broadcast_in_dim3A_375, %select_n3A_438 : vector<1x256xi32>
          %and3A_454 = arith.andi %eq3A_452, %lt3A_453 : vector<1x256xi1>
          %or3A_455 = arith.ori %lt3A_451, %and3A_454 : vector<1x256xi1>
          %lt3A_456 = arith.cmpf olt, %broadcast_in_dim3A_365, %select_n3A_440 : vector<1x256xf32>
          %eq3A_457 = arith.cmpf oeq, %broadcast_in_dim3A_365, %select_n3A_440 : vector<1x256xf32>
          %lt3A_458 = arith.cmpi slt, %broadcast_in_dim3A_375, %select_n3A_442 : vector<1x256xi32>
          %and3A_459 = arith.andi %eq3A_457, %lt3A_458 : vector<1x256xi1>
          %or3A_460 = arith.ori %lt3A_456, %and3A_459 : vector<1x256xi1>
          %lt3A_461 = arith.cmpf olt, %broadcast_in_dim3A_365, %select_n3A_444 : vector<1x256xf32>
          %eq3A_462 = arith.cmpf oeq, %broadcast_in_dim3A_365, %select_n3A_444 : vector<1x256xf32>
          %lt3A_463 = arith.cmpi slt, %broadcast_in_dim3A_375, %select_n3A_446 : vector<1x256xi32>
          %and3A_464 = arith.andi %eq3A_462, %lt3A_463 : vector<1x256xi1>
          %or3A_465 = arith.ori %lt3A_461, %and3A_464 : vector<1x256xi1>
          %lt3A_466 = arith.cmpf olt, %broadcast_in_dim3A_365, %select_n3A_448 : vector<1x256xf32>
          %eq3A_467 = arith.cmpf oeq, %broadcast_in_dim3A_365, %select_n3A_448 : vector<1x256xf32>
          %lt3A_468 = arith.cmpi slt, %broadcast_in_dim3A_375, %select_n3A_450 : vector<1x256xi32>
          %and3A_469 = arith.andi %eq3A_467, %lt3A_468 : vector<1x256xi1>
          %or3A_470 = arith.ori %lt3A_466, %and3A_469 : vector<1x256xi1>
          %select_n3A_471 = arith.select %or3A_455, %broadcast_in_dim3A_365, %select_n3A_437 : vector<1x256xi1>, vector<1x256xf32>
          %select_n3A_472 = arith.select %or3A_455, %broadcast_in_dim3A_375, %select_n3A_438 : vector<1x256xi1>, vector<1x256xi32>
          %select_n3A_473 = arith.select %or3A_460, %broadcast_in_dim3A_365, %select_n3A_440 : vector<1x256xi1>, vector<1x256xf32>
          %select_n3A_474 = arith.select %or3A_455, %select_n3A_437, %select_n3A_473 : vector<1x256xi1>, vector<1x256xf32>
          %select_n3A_475 = arith.select %or3A_460, %broadcast_in_dim3A_375, %select_n3A_442 : vector<1x256xi1>, vector<1x256xi32>
          %select_n3A_476 = arith.select %or3A_455, %select_n3A_438, %select_n3A_475 : vector<1x256xi1>, vector<1x256xi32>
          %select_n3A_477 = arith.select %or3A_465, %broadcast_in_dim3A_365, %select_n3A_444 : vector<1x256xi1>, vector<1x256xf32>
          %select_n3A_478 = arith.select %or3A_460, %select_n3A_440, %select_n3A_477 : vector<1x256xi1>, vector<1x256xf32>
          %select_n3A_479 = arith.select %or3A_465, %broadcast_in_dim3A_375, %select_n3A_446 : vector<1x256xi1>, vector<1x256xi32>
          %select_n3A_480 = arith.select %or3A_460, %select_n3A_442, %select_n3A_479 : vector<1x256xi1>, vector<1x256xi32>
          %select_n3A_481 = arith.select %or3A_470, %broadcast_in_dim3A_365, %select_n3A_448 : vector<1x256xi1>, vector<1x256xf32>
          %select_n3A_482 = arith.select %or3A_465, %select_n3A_444, %select_n3A_481 : vector<1x256xi1>, vector<1x256xf32>
          %select_n3A_483 = arith.select %or3A_470, %broadcast_in_dim3A_375, %select_n3A_450 : vector<1x256xi1>, vector<1x256xi32>
          %select_n3A_484 = arith.select %or3A_465, %select_n3A_446, %select_n3A_483 : vector<1x256xi1>, vector<1x256xi32>
          %lt3A_485 = arith.cmpf olt, %broadcast_in_dim3A_383, %select_n3A_471 : vector<1x256xf32>
          %eq3A_486 = arith.cmpf oeq, %broadcast_in_dim3A_383, %select_n3A_471 : vector<1x256xf32>
          %lt3A_487 = arith.cmpi slt, %broadcast_in_dim3A_393, %select_n3A_472 : vector<1x256xi32>
          %and3A_488 = arith.andi %eq3A_486, %lt3A_487 : vector<1x256xi1>
          %or3A_489 = arith.ori %lt3A_485, %and3A_488 : vector<1x256xi1>
          %lt3A_490 = arith.cmpf olt, %broadcast_in_dim3A_383, %select_n3A_474 : vector<1x256xf32>
          %eq3A_491 = arith.cmpf oeq, %broadcast_in_dim3A_383, %select_n3A_474 : vector<1x256xf32>
          %lt3A_492 = arith.cmpi slt, %broadcast_in_dim3A_393, %select_n3A_476 : vector<1x256xi32>
          %and3A_493 = arith.andi %eq3A_491, %lt3A_492 : vector<1x256xi1>
          %or3A_494 = arith.ori %lt3A_490, %and3A_493 : vector<1x256xi1>
          %lt3A_495 = arith.cmpf olt, %broadcast_in_dim3A_383, %select_n3A_478 : vector<1x256xf32>
          %eq3A_496 = arith.cmpf oeq, %broadcast_in_dim3A_383, %select_n3A_478 : vector<1x256xf32>
          %lt3A_497 = arith.cmpi slt, %broadcast_in_dim3A_393, %select_n3A_480 : vector<1x256xi32>
          %and3A_498 = arith.andi %eq3A_496, %lt3A_497 : vector<1x256xi1>
          %or3A_499 = arith.ori %lt3A_495, %and3A_498 : vector<1x256xi1>
          %lt3A_500 = arith.cmpf olt, %broadcast_in_dim3A_383, %select_n3A_482 : vector<1x256xf32>
          %eq3A_501 = arith.cmpf oeq, %broadcast_in_dim3A_383, %select_n3A_482 : vector<1x256xf32>
          %lt3A_502 = arith.cmpi slt, %broadcast_in_dim3A_393, %select_n3A_484 : vector<1x256xi32>
          %and3A_503 = arith.andi %eq3A_501, %lt3A_502 : vector<1x256xi1>
          %or3A_504 = arith.ori %lt3A_500, %and3A_503 : vector<1x256xi1>
          %select_n3A_505 = arith.select %or3A_489, %broadcast_in_dim3A_383, %select_n3A_471 : vector<1x256xi1>, vector<1x256xf32>
          %select_n3A_506 = arith.select %or3A_489, %broadcast_in_dim3A_393, %select_n3A_472 : vector<1x256xi1>, vector<1x256xi32>
          %select_n3A_507 = arith.select %or3A_494, %broadcast_in_dim3A_383, %select_n3A_474 : vector<1x256xi1>, vector<1x256xf32>
          %select_n3A_508 = arith.select %or3A_489, %select_n3A_471, %select_n3A_507 : vector<1x256xi1>, vector<1x256xf32>
          %select_n3A_509 = arith.select %or3A_494, %broadcast_in_dim3A_393, %select_n3A_476 : vector<1x256xi1>, vector<1x256xi32>
          %select_n3A_510 = arith.select %or3A_489, %select_n3A_472, %select_n3A_509 : vector<1x256xi1>, vector<1x256xi32>
          %select_n3A_511 = arith.select %or3A_499, %broadcast_in_dim3A_383, %select_n3A_478 : vector<1x256xi1>, vector<1x256xf32>
          %select_n3A_512 = arith.select %or3A_494, %select_n3A_474, %select_n3A_511 : vector<1x256xi1>, vector<1x256xf32>
          %select_n3A_513 = arith.select %or3A_499, %broadcast_in_dim3A_393, %select_n3A_480 : vector<1x256xi1>, vector<1x256xi32>
          %select_n3A_514 = arith.select %or3A_494, %select_n3A_476, %select_n3A_513 : vector<1x256xi1>, vector<1x256xi32>
          %select_n3A_515 = arith.select %or3A_504, %broadcast_in_dim3A_383, %select_n3A_482 : vector<1x256xi1>, vector<1x256xf32>
          %select_n3A_516 = arith.select %or3A_499, %select_n3A_478, %select_n3A_515 : vector<1x256xi1>, vector<1x256xf32>
          %select_n3A_517 = arith.select %or3A_504, %broadcast_in_dim3A_393, %select_n3A_484 : vector<1x256xi1>, vector<1x256xi32>
          %select_n3A_518 = arith.select %or3A_499, %select_n3A_480, %select_n3A_517 : vector<1x256xi1>, vector<1x256xi32>
          %lt3A_519 = arith.cmpf olt, %broadcast_in_dim3A_401, %select_n3A_505 : vector<1x256xf32>
          %eq3A_520 = arith.cmpf oeq, %broadcast_in_dim3A_401, %select_n3A_505 : vector<1x256xf32>
          %lt3A_521 = arith.cmpi slt, %broadcast_in_dim3A_411, %select_n3A_506 : vector<1x256xi32>
          %and3A_522 = arith.andi %eq3A_520, %lt3A_521 : vector<1x256xi1>
          %or3A_523 = arith.ori %lt3A_519, %and3A_522 : vector<1x256xi1>
          %lt3A_524 = arith.cmpf olt, %broadcast_in_dim3A_401, %select_n3A_508 : vector<1x256xf32>
          %eq3A_525 = arith.cmpf oeq, %broadcast_in_dim3A_401, %select_n3A_508 : vector<1x256xf32>
          %lt3A_526 = arith.cmpi slt, %broadcast_in_dim3A_411, %select_n3A_510 : vector<1x256xi32>
          %and3A_527 = arith.andi %eq3A_525, %lt3A_526 : vector<1x256xi1>
          %or3A_528 = arith.ori %lt3A_524, %and3A_527 : vector<1x256xi1>
          %lt3A_529 = arith.cmpf olt, %broadcast_in_dim3A_401, %select_n3A_512 : vector<1x256xf32>
          %eq3A_530 = arith.cmpf oeq, %broadcast_in_dim3A_401, %select_n3A_512 : vector<1x256xf32>
          %lt3A_531 = arith.cmpi slt, %broadcast_in_dim3A_411, %select_n3A_514 : vector<1x256xi32>
          %and3A_532 = arith.andi %eq3A_530, %lt3A_531 : vector<1x256xi1>
          %or3A_533 = arith.ori %lt3A_529, %and3A_532 : vector<1x256xi1>
          %lt3A_534 = arith.cmpf olt, %broadcast_in_dim3A_401, %select_n3A_516 : vector<1x256xf32>
          %eq3A_535 = arith.cmpf oeq, %broadcast_in_dim3A_401, %select_n3A_516 : vector<1x256xf32>
          %lt3A_536 = arith.cmpi slt, %broadcast_in_dim3A_411, %select_n3A_518 : vector<1x256xi32>
          %and3A_537 = arith.andi %eq3A_535, %lt3A_536 : vector<1x256xi1>
          %or3A_538 = arith.ori %lt3A_534, %and3A_537 : vector<1x256xi1>
          %select_n3A_539 = arith.select %or3A_523, %broadcast_in_dim3A_401, %select_n3A_505 : vector<1x256xi1>, vector<1x256xf32>
          %select_n3A_540 = arith.select %or3A_523, %broadcast_in_dim3A_411, %select_n3A_506 : vector<1x256xi1>, vector<1x256xi32>
          %select_n3A_541 = arith.select %or3A_528, %broadcast_in_dim3A_401, %select_n3A_508 : vector<1x256xi1>, vector<1x256xf32>
          %select_n3A_542 = arith.select %or3A_523, %select_n3A_505, %select_n3A_541 : vector<1x256xi1>, vector<1x256xf32>
          %select_n3A_543 = arith.select %or3A_528, %broadcast_in_dim3A_411, %select_n3A_510 : vector<1x256xi1>, vector<1x256xi32>
          %select_n3A_544 = arith.select %or3A_523, %select_n3A_506, %select_n3A_543 : vector<1x256xi1>, vector<1x256xi32>
          %select_n3A_545 = arith.select %or3A_533, %broadcast_in_dim3A_401, %select_n3A_512 : vector<1x256xi1>, vector<1x256xf32>
          %select_n3A_546 = arith.select %or3A_528, %select_n3A_508, %select_n3A_545 : vector<1x256xi1>, vector<1x256xf32>
          %select_n3A_547 = arith.select %or3A_533, %broadcast_in_dim3A_411, %select_n3A_514 : vector<1x256xi1>, vector<1x256xi32>
          %select_n3A_548 = arith.select %or3A_528, %select_n3A_510, %select_n3A_547 : vector<1x256xi1>, vector<1x256xi32>
          %select_n3A_549 = arith.select %or3A_538, %broadcast_in_dim3A_401, %select_n3A_516 : vector<1x256xi1>, vector<1x256xf32>
          %select_n3A_550 = arith.select %or3A_533, %select_n3A_512, %select_n3A_549 : vector<1x256xi1>, vector<1x256xf32>
          %select_n3A_551 = arith.select %or3A_538, %broadcast_in_dim3A_411, %select_n3A_518 : vector<1x256xi1>, vector<1x256xi32>
          %select_n3A_552 = arith.select %or3A_533, %select_n3A_514, %select_n3A_551 : vector<1x256xi1>, vector<1x256xi32>
          scf.yield %select_n3A_539, %select_n3A_540, %select_n3A_542, %select_n3A_544, %select_n3A_546, %select_n3A_548, %select_n3A_550, %select_n3A_552 : vector<1x256xf32>, vector<1x256xi32>, vector<1x256xf32>, vector<1x256xi32>, vector<1x256xf32>, vector<1x256xi32>, vector<1x256xf32>, vector<1x256xi32>
        }
        %while3A_210 = arith.constant 1 : i32
        %while3A_211:8 = scf.for %while3A_318 = %while3A_207 to %while3A_203 step %while3A_210 iter_args(%while3A_319 = %while3A_209#0, %while3A_320 = %while3A_209#1, %while3A_321 = %while3A_209#2, %while3A_322 = %while3A_209#3, %while3A_323 = %while3A_209#4, %while3A_324 = %while3A_209#5, %while3A_325 = %while3A_209#6, %while3A_326 = %while3A_209#7) -> (vector<1x256xf32>, vector<1x256xi32>, vector<1x256xf32>, vector<1x256xi32>, vector<1x256xf32>, vector<1x256xi32>, vector<1x256xf32>, vector<1x256xi32>)  : i32 {
          %mul3A_327 = arith.constant 128 : i32
          %mul3A_328 = arith.muli %while3A_318, %mul3A_327 : i32
          %add3A_329 = vector.broadcast %mul3A_328 : i32 to vector<128x1xi32>
          %add3A_330 = arith.addi %iota3A, %add3A_329 : vector<128x1xi32>
          %get3A_331 = arith.index_cast %while3A_318 : i32 to index
          %get3A_332 = arith.constant 0 : index
          %get3A_333 = arith.constant 0 : index
          %get3A_334 = vector.load %arg7[%get3A_331, %get3A_332, %get3A_333] : memref<64x128x256xf32, #tpu.memory_space<vmem>>, vector<1x128x256xf32>
          %get3A_335 = vector.shape_cast %get3A_334 : vector<1x128x256xf32> to vector<128x256xf32>
          %gt3A = vector.broadcast %while3A_195 : vector<1x256xf32> to vector<128x256xf32>
          %gt3A_336 = arith.cmpf ogt, %get3A_335, %gt3A : vector<128x256xf32>
          %eq3A_337 = vector.broadcast %while3A_195 : vector<1x256xf32> to vector<128x256xf32>
          %eq3A_338 = arith.cmpf oeq, %get3A_335, %eq3A_337 : vector<128x256xf32>
          %gt3A_339 = vector.broadcast %add3A_330 : vector<128x1xi32> to vector<128x256xi32>
          %gt3A_340 = vector.broadcast %while3A_196 : vector<1x256xi32> to vector<128x256xi32>
          %gt3A_341 = arith.cmpi sgt, %gt3A_339, %gt3A_340 : vector<128x256xi32>
          %and3A_342 = arith.andi %eq3A_338, %gt3A_341 : vector<128x256xi1>
          %or3A = arith.ori %gt3A_336, %and3A_342 : vector<128x256xi1>
          %broadcast_in_dim3A_343 = vector.broadcast %while3A : f32 to vector<128x256xf32>
          %select_n3A_344 = arith.select %or3A, %get3A_335, %broadcast_in_dim3A_343 : vector<128x256xi1>, vector<128x256xf32>
          %reduce_min3A_345 = arith.constant dense<0x7F800000> : vector<256xf32>
          %reduce_min3A_346 = vector.multi_reduction <minimumf>, %select_n3A_344, %reduce_min3A_345 [0] : vector<128x256xf32> to vector<256xf32>
          %broadcast_in_dim3A_347 = vector.shape_cast %reduce_min3A_346 : vector<256xf32> to vector<1x256xf32>
          %eq3A_348 = vector.broadcast %broadcast_in_dim3A_347 : vector<1x256xf32> to vector<128x256xf32>
          %eq3A_349 = arith.cmpf oeq, %select_n3A_344, %eq3A_348 : vector<128x256xf32>
          %jit3A_350 = arith.constant 8192 : i32
          %broadcast_in_dim3A_351 = vector.shape_cast %add3A_330 : vector<128x1xi32> to vector<128x1xi32>
          %broadcast_in_dim3A_352 = vector.broadcast %broadcast_in_dim3A_351 : vector<128x1xi32> to vector<128x256xi32>
          %broadcast_in_dim3A_353 = vector.broadcast %jit3A_350 : i32 to vector<128x256xi32>
          %select_n3A_354 = arith.select %eq3A_349, %broadcast_in_dim3A_352, %broadcast_in_dim3A_353 : vector<128x256xi1>, vector<128x256xi32>
          %reduce_min3A_355 = arith.constant dense<2147483647> : vector<256xi32>
          %reduce_min3A_356 = vector.multi_reduction <minsi>, %select_n3A_354, %reduce_min3A_355 [0] : vector<128x256xi32> to vector<256xi32>
          %broadcast_in_dim3A_357 = vector.shape_cast %reduce_min3A_356 : vector<256xi32> to vector<1x256xi32>
          %eq3A_358 = vector.broadcast %add3A_330 : vector<128x1xi32> to vector<128x256xi32>
          %eq3A_359 = vector.broadcast %broadcast_in_dim3A_357 : vector<1x256xi32> to vector<128x256xi32>
          %eq3A_360 = arith.cmpi eq, %eq3A_358, %eq3A_359 : vector<128x256xi32>
          %broadcast_in_dim3A_361 = vector.broadcast %while3A : f32 to vector<128x256xf32>
          %select_n3A_362 = arith.select %eq3A_360, %broadcast_in_dim3A_361, %select_n3A_344 : vector<128x256xi1>, vector<128x256xf32>
          %reduce_min3A_363 = arith.constant dense<0x7F800000> : vector<256xf32>
          %reduce_min3A_364 = vector.multi_reduction <minimumf>, %select_n3A_362, %reduce_min3A_363 [0] : vector<128x256xf32> to vector<256xf32>
          %broadcast_in_dim3A_365 = vector.shape_cast %reduce_min3A_364 : vector<256xf32> to vector<1x256xf32>
          %eq3A_366 = vector.broadcast %broadcast_in_dim3A_365 : vector<1x256xf32> to vector<128x256xf32>
          %eq3A_367 = arith.cmpf oeq, %select_n3A_362, %eq3A_366 : vector<128x256xf32>
          %jit3A_368 = arith.constant 8192 : i32
          %broadcast_in_dim3A_369 = vector.shape_cast %add3A_330 : vector<128x1xi32> to vector<128x1xi32>
          %broadcast_in_dim3A_370 = vector.broadcast %broadcast_in_dim3A_369 : vector<128x1xi32> to vector<128x256xi32>
          %broadcast_in_dim3A_371 = vector.broadcast %jit3A_368 : i32 to vector<128x256xi32>
          %select_n3A_372 = arith.select %eq3A_367, %broadcast_in_dim3A_370, %broadcast_in_dim3A_371 : vector<128x256xi1>, vector<128x256xi32>
          %reduce_min3A_373 = arith.constant dense<2147483647> : vector<256xi32>
          %reduce_min3A_374 = vector.multi_reduction <minsi>, %select_n3A_372, %reduce_min3A_373 [0] : vector<128x256xi32> to vector<256xi32>
          %broadcast_in_dim3A_375 = vector.shape_cast %reduce_min3A_374 : vector<256xi32> to vector<1x256xi32>
          %eq3A_376 = vector.broadcast %add3A_330 : vector<128x1xi32> to vector<128x256xi32>
          %eq3A_377 = vector.broadcast %broadcast_in_dim3A_375 : vector<1x256xi32> to vector<128x256xi32>
          %eq3A_378 = arith.cmpi eq, %eq3A_376, %eq3A_377 : vector<128x256xi32>
          %broadcast_in_dim3A_379 = vector.broadcast %while3A : f32 to vector<128x256xf32>
          %select_n3A_380 = arith.select %eq3A_378, %broadcast_in_dim3A_379, %select_n3A_362 : vector<128x256xi1>, vector<128x256xf32>
          %reduce_min3A_381 = arith.constant dense<0x7F800000> : vector<256xf32>
          %reduce_min3A_382 = vector.multi_reduction <minimumf>, %select_n3A_380, %reduce_min3A_381 [0] : vector<128x256xf32> to vector<256xf32>
          %broadcast_in_dim3A_383 = vector.shape_cast %reduce_min3A_382 : vector<256xf32> to vector<1x256xf32>
          %eq3A_384 = vector.broadcast %broadcast_in_dim3A_383 : vector<1x256xf32> to vector<128x256xf32>
          %eq3A_385 = arith.cmpf oeq, %select_n3A_380, %eq3A_384 : vector<128x256xf32>
          %jit3A_386 = arith.constant 8192 : i32
          %broadcast_in_dim3A_387 = vector.shape_cast %add3A_330 : vector<128x1xi32> to vector<128x1xi32>
          %broadcast_in_dim3A_388 = vector.broadcast %broadcast_in_dim3A_387 : vector<128x1xi32> to vector<128x256xi32>
          %broadcast_in_dim3A_389 = vector.broadcast %jit3A_386 : i32 to vector<128x256xi32>
          %select_n3A_390 = arith.select %eq3A_385, %broadcast_in_dim3A_388, %broadcast_in_dim3A_389 : vector<128x256xi1>, vector<128x256xi32>
          %reduce_min3A_391 = arith.constant dense<2147483647> : vector<256xi32>
          %reduce_min3A_392 = vector.multi_reduction <minsi>, %select_n3A_390, %reduce_min3A_391 [0] : vector<128x256xi32> to vector<256xi32>
          %broadcast_in_dim3A_393 = vector.shape_cast %reduce_min3A_392 : vector<256xi32> to vector<1x256xi32>
          %eq3A_394 = vector.broadcast %add3A_330 : vector<128x1xi32> to vector<128x256xi32>
          %eq3A_395 = vector.broadcast %broadcast_in_dim3A_393 : vector<1x256xi32> to vector<128x256xi32>
          %eq3A_396 = arith.cmpi eq, %eq3A_394, %eq3A_395 : vector<128x256xi32>
          %broadcast_in_dim3A_397 = vector.broadcast %while3A : f32 to vector<128x256xf32>
          %select_n3A_398 = arith.select %eq3A_396, %broadcast_in_dim3A_397, %select_n3A_380 : vector<128x256xi1>, vector<128x256xf32>
          %reduce_min3A_399 = arith.constant dense<0x7F800000> : vector<256xf32>
          %reduce_min3A_400 = vector.multi_reduction <minimumf>, %select_n3A_398, %reduce_min3A_399 [0] : vector<128x256xf32> to vector<256xf32>
          %broadcast_in_dim3A_401 = vector.shape_cast %reduce_min3A_400 : vector<256xf32> to vector<1x256xf32>
          %eq3A_402 = vector.broadcast %broadcast_in_dim3A_401 : vector<1x256xf32> to vector<128x256xf32>
          %eq3A_403 = arith.cmpf oeq, %select_n3A_398, %eq3A_402 : vector<128x256xf32>
          %jit3A_404 = arith.constant 8192 : i32
          %broadcast_in_dim3A_405 = vector.shape_cast %add3A_330 : vector<128x1xi32> to vector<128x1xi32>
          %broadcast_in_dim3A_406 = vector.broadcast %broadcast_in_dim3A_405 : vector<128x1xi32> to vector<128x256xi32>
          %broadcast_in_dim3A_407 = vector.broadcast %jit3A_404 : i32 to vector<128x256xi32>
          %select_n3A_408 = arith.select %eq3A_403, %broadcast_in_dim3A_406, %broadcast_in_dim3A_407 : vector<128x256xi1>, vector<128x256xi32>
          %reduce_min3A_409 = arith.constant dense<2147483647> : vector<256xi32>
          %reduce_min3A_410 = vector.multi_reduction <minsi>, %select_n3A_408, %reduce_min3A_409 [0] : vector<128x256xi32> to vector<256xi32>
          %broadcast_in_dim3A_411 = vector.shape_cast %reduce_min3A_410 : vector<256xi32> to vector<1x256xi32>
          %eq3A_412 = vector.broadcast %add3A_330 : vector<128x1xi32> to vector<128x256xi32>
          %eq3A_413 = vector.broadcast %broadcast_in_dim3A_411 : vector<1x256xi32> to vector<128x256xi32>
          %eq3A_414 = arith.cmpi eq, %eq3A_412, %eq3A_413 : vector<128x256xi32>
          %broadcast_in_dim3A_415 = vector.broadcast %while3A : f32 to vector<128x256xf32>
          %select_n3A_416 = arith.select %eq3A_414, %broadcast_in_dim3A_415, %select_n3A_398 : vector<128x256xi1>, vector<128x256xf32>
          %lt3A_417 = arith.cmpf olt, %broadcast_in_dim3A_347, %while3A_319 : vector<1x256xf32>
          %eq3A_418 = arith.cmpf oeq, %broadcast_in_dim3A_347, %while3A_319 : vector<1x256xf32>
          %lt3A_419 = arith.cmpi slt, %broadcast_in_dim3A_357, %while3A_320 : vector<1x256xi32>
          %and3A_420 = arith.andi %eq3A_418, %lt3A_419 : vector<1x256xi1>
          %or3A_421 = arith.ori %lt3A_417, %and3A_420 : vector<1x256xi1>
          %lt3A_422 = arith.cmpf olt, %broadcast_in_dim3A_347, %while3A_321 : vector<1x256xf32>
          %eq3A_423 = arith.cmpf oeq, %broadcast_in_dim3A_347, %while3A_321 : vector<1x256xf32>
          %lt3A_424 = arith.cmpi slt, %broadcast_in_dim3A_357, %while3A_322 : vector<1x256xi32>
          %and3A_425 = arith.andi %eq3A_423, %lt3A_424 : vector<1x256xi1>
          %or3A_426 = arith.ori %lt3A_422, %and3A_425 : vector<1x256xi1>
          %lt3A_427 = arith.cmpf olt, %broadcast_in_dim3A_347, %while3A_323 : vector<1x256xf32>
          %eq3A_428 = arith.cmpf oeq, %broadcast_in_dim3A_347, %while3A_323 : vector<1x256xf32>
          %lt3A_429 = arith.cmpi slt, %broadcast_in_dim3A_357, %while3A_324 : vector<1x256xi32>
          %and3A_430 = arith.andi %eq3A_428, %lt3A_429 : vector<1x256xi1>
          %or3A_431 = arith.ori %lt3A_427, %and3A_430 : vector<1x256xi1>
          %lt3A_432 = arith.cmpf olt, %broadcast_in_dim3A_347, %while3A_325 : vector<1x256xf32>
          %eq3A_433 = arith.cmpf oeq, %broadcast_in_dim3A_347, %while3A_325 : vector<1x256xf32>
          %lt3A_434 = arith.cmpi slt, %broadcast_in_dim3A_357, %while3A_326 : vector<1x256xi32>
          %and3A_435 = arith.andi %eq3A_433, %lt3A_434 : vector<1x256xi1>
          %or3A_436 = arith.ori %lt3A_432, %and3A_435 : vector<1x256xi1>
          %select_n3A_437 = arith.select %or3A_421, %broadcast_in_dim3A_347, %while3A_319 : vector<1x256xi1>, vector<1x256xf32>
          %select_n3A_438 = arith.select %or3A_421, %broadcast_in_dim3A_357, %while3A_320 : vector<1x256xi1>, vector<1x256xi32>
          %select_n3A_439 = arith.select %or3A_426, %broadcast_in_dim3A_347, %while3A_321 : vector<1x256xi1>, vector<1x256xf32>
          %select_n3A_440 = arith.select %or3A_421, %while3A_319, %select_n3A_439 : vector<1x256xi1>, vector<1x256xf32>
          %select_n3A_441 = arith.select %or3A_426, %broadcast_in_dim3A_357, %while3A_322 : vector<1x256xi1>, vector<1x256xi32>
          %select_n3A_442 = arith.select %or3A_421, %while3A_320, %select_n3A_441 : vector<1x256xi1>, vector<1x256xi32>
          %select_n3A_443 = arith.select %or3A_431, %broadcast_in_dim3A_347, %while3A_323 : vector<1x256xi1>, vector<1x256xf32>
          %select_n3A_444 = arith.select %or3A_426, %while3A_321, %select_n3A_443 : vector<1x256xi1>, vector<1x256xf32>
          %select_n3A_445 = arith.select %or3A_431, %broadcast_in_dim3A_357, %while3A_324 : vector<1x256xi1>, vector<1x256xi32>
          %select_n3A_446 = arith.select %or3A_426, %while3A_322, %select_n3A_445 : vector<1x256xi1>, vector<1x256xi32>
          %select_n3A_447 = arith.select %or3A_436, %broadcast_in_dim3A_347, %while3A_325 : vector<1x256xi1>, vector<1x256xf32>
          %select_n3A_448 = arith.select %or3A_431, %while3A_323, %select_n3A_447 : vector<1x256xi1>, vector<1x256xf32>
          %select_n3A_449 = arith.select %or3A_436, %broadcast_in_dim3A_357, %while3A_326 : vector<1x256xi1>, vector<1x256xi32>
          %select_n3A_450 = arith.select %or3A_431, %while3A_324, %select_n3A_449 : vector<1x256xi1>, vector<1x256xi32>
          %lt3A_451 = arith.cmpf olt, %broadcast_in_dim3A_365, %select_n3A_437 : vector<1x256xf32>
          %eq3A_452 = arith.cmpf oeq, %broadcast_in_dim3A_365, %select_n3A_437 : vector<1x256xf32>
          %lt3A_453 = arith.cmpi slt, %broadcast_in_dim3A_375, %select_n3A_438 : vector<1x256xi32>
          %and3A_454 = arith.andi %eq3A_452, %lt3A_453 : vector<1x256xi1>
          %or3A_455 = arith.ori %lt3A_451, %and3A_454 : vector<1x256xi1>
          %lt3A_456 = arith.cmpf olt, %broadcast_in_dim3A_365, %select_n3A_440 : vector<1x256xf32>
          %eq3A_457 = arith.cmpf oeq, %broadcast_in_dim3A_365, %select_n3A_440 : vector<1x256xf32>
          %lt3A_458 = arith.cmpi slt, %broadcast_in_dim3A_375, %select_n3A_442 : vector<1x256xi32>
          %and3A_459 = arith.andi %eq3A_457, %lt3A_458 : vector<1x256xi1>
          %or3A_460 = arith.ori %lt3A_456, %and3A_459 : vector<1x256xi1>
          %lt3A_461 = arith.cmpf olt, %broadcast_in_dim3A_365, %select_n3A_444 : vector<1x256xf32>
          %eq3A_462 = arith.cmpf oeq, %broadcast_in_dim3A_365, %select_n3A_444 : vector<1x256xf32>
          %lt3A_463 = arith.cmpi slt, %broadcast_in_dim3A_375, %select_n3A_446 : vector<1x256xi32>
          %and3A_464 = arith.andi %eq3A_462, %lt3A_463 : vector<1x256xi1>
          %or3A_465 = arith.ori %lt3A_461, %and3A_464 : vector<1x256xi1>
          %lt3A_466 = arith.cmpf olt, %broadcast_in_dim3A_365, %select_n3A_448 : vector<1x256xf32>
          %eq3A_467 = arith.cmpf oeq, %broadcast_in_dim3A_365, %select_n3A_448 : vector<1x256xf32>
          %lt3A_468 = arith.cmpi slt, %broadcast_in_dim3A_375, %select_n3A_450 : vector<1x256xi32>
          %and3A_469 = arith.andi %eq3A_467, %lt3A_468 : vector<1x256xi1>
          %or3A_470 = arith.ori %lt3A_466, %and3A_469 : vector<1x256xi1>
          %select_n3A_471 = arith.select %or3A_455, %broadcast_in_dim3A_365, %select_n3A_437 : vector<1x256xi1>, vector<1x256xf32>
          %select_n3A_472 = arith.select %or3A_455, %broadcast_in_dim3A_375, %select_n3A_438 : vector<1x256xi1>, vector<1x256xi32>
          %select_n3A_473 = arith.select %or3A_460, %broadcast_in_dim3A_365, %select_n3A_440 : vector<1x256xi1>, vector<1x256xf32>
          %select_n3A_474 = arith.select %or3A_455, %select_n3A_437, %select_n3A_473 : vector<1x256xi1>, vector<1x256xf32>
          %select_n3A_475 = arith.select %or3A_460, %broadcast_in_dim3A_375, %select_n3A_442 : vector<1x256xi1>, vector<1x256xi32>
          %select_n3A_476 = arith.select %or3A_455, %select_n3A_438, %select_n3A_475 : vector<1x256xi1>, vector<1x256xi32>
          %select_n3A_477 = arith.select %or3A_465, %broadcast_in_dim3A_365, %select_n3A_444 : vector<1x256xi1>, vector<1x256xf32>
          %select_n3A_478 = arith.select %or3A_460, %select_n3A_440, %select_n3A_477 : vector<1x256xi1>, vector<1x256xf32>
          %select_n3A_479 = arith.select %or3A_465, %broadcast_in_dim3A_375, %select_n3A_446 : vector<1x256xi1>, vector<1x256xi32>
          %select_n3A_480 = arith.select %or3A_460, %select_n3A_442, %select_n3A_479 : vector<1x256xi1>, vector<1x256xi32>
          %select_n3A_481 = arith.select %or3A_470, %broadcast_in_dim3A_365, %select_n3A_448 : vector<1x256xi1>, vector<1x256xf32>
          %select_n3A_482 = arith.select %or3A_465, %select_n3A_444, %select_n3A_481 : vector<1x256xi1>, vector<1x256xf32>
          %select_n3A_483 = arith.select %or3A_470, %broadcast_in_dim3A_375, %select_n3A_450 : vector<1x256xi1>, vector<1x256xi32>
          %select_n3A_484 = arith.select %or3A_465, %select_n3A_446, %select_n3A_483 : vector<1x256xi1>, vector<1x256xi32>
          %lt3A_485 = arith.cmpf olt, %broadcast_in_dim3A_383, %select_n3A_471 : vector<1x256xf32>
          %eq3A_486 = arith.cmpf oeq, %broadcast_in_dim3A_383, %select_n3A_471 : vector<1x256xf32>
          %lt3A_487 = arith.cmpi slt, %broadcast_in_dim3A_393, %select_n3A_472 : vector<1x256xi32>
          %and3A_488 = arith.andi %eq3A_486, %lt3A_487 : vector<1x256xi1>
          %or3A_489 = arith.ori %lt3A_485, %and3A_488 : vector<1x256xi1>
          %lt3A_490 = arith.cmpf olt, %broadcast_in_dim3A_383, %select_n3A_474 : vector<1x256xf32>
          %eq3A_491 = arith.cmpf oeq, %broadcast_in_dim3A_383, %select_n3A_474 : vector<1x256xf32>
          %lt3A_492 = arith.cmpi slt, %broadcast_in_dim3A_393, %select_n3A_476 : vector<1x256xi32>
          %and3A_493 = arith.andi %eq3A_491, %lt3A_492 : vector<1x256xi1>
          %or3A_494 = arith.ori %lt3A_490, %and3A_493 : vector<1x256xi1>
          %lt3A_495 = arith.cmpf olt, %broadcast_in_dim3A_383, %select_n3A_478 : vector<1x256xf32>
          %eq3A_496 = arith.cmpf oeq, %broadcast_in_dim3A_383, %select_n3A_478 : vector<1x256xf32>
          %lt3A_497 = arith.cmpi slt, %broadcast_in_dim3A_393, %select_n3A_480 : vector<1x256xi32>
          %and3A_498 = arith.andi %eq3A_496, %lt3A_497 : vector<1x256xi1>
          %or3A_499 = arith.ori %lt3A_495, %and3A_498 : vector<1x256xi1>
          %lt3A_500 = arith.cmpf olt, %broadcast_in_dim3A_383, %select_n3A_482 : vector<1x256xf32>
          %eq3A_501 = arith.cmpf oeq, %broadcast_in_dim3A_383, %select_n3A_482 : vector<1x256xf32>
          %lt3A_502 = arith.cmpi slt, %broadcast_in_dim3A_393, %select_n3A_484 : vector<1x256xi32>
          %and3A_503 = arith.andi %eq3A_501, %lt3A_502 : vector<1x256xi1>
          %or3A_504 = arith.ori %lt3A_500, %and3A_503 : vector<1x256xi1>
          %select_n3A_505 = arith.select %or3A_489, %broadcast_in_dim3A_383, %select_n3A_471 : vector<1x256xi1>, vector<1x256xf32>
          %select_n3A_506 = arith.select %or3A_489, %broadcast_in_dim3A_393, %select_n3A_472 : vector<1x256xi1>, vector<1x256xi32>
          %select_n3A_507 = arith.select %or3A_494, %broadcast_in_dim3A_383, %select_n3A_474 : vector<1x256xi1>, vector<1x256xf32>
          %select_n3A_508 = arith.select %or3A_489, %select_n3A_471, %select_n3A_507 : vector<1x256xi1>, vector<1x256xf32>
          %select_n3A_509 = arith.select %or3A_494, %broadcast_in_dim3A_393, %select_n3A_476 : vector<1x256xi1>, vector<1x256xi32>
          %select_n3A_510 = arith.select %or3A_489, %select_n3A_472, %select_n3A_509 : vector<1x256xi1>, vector<1x256xi32>
          %select_n3A_511 = arith.select %or3A_499, %broadcast_in_dim3A_383, %select_n3A_478 : vector<1x256xi1>, vector<1x256xf32>
          %select_n3A_512 = arith.select %or3A_494, %select_n3A_474, %select_n3A_511 : vector<1x256xi1>, vector<1x256xf32>
          %select_n3A_513 = arith.select %or3A_499, %broadcast_in_dim3A_393, %select_n3A_480 : vector<1x256xi1>, vector<1x256xi32>
          %select_n3A_514 = arith.select %or3A_494, %select_n3A_476, %select_n3A_513 : vector<1x256xi1>, vector<1x256xi32>
          %select_n3A_515 = arith.select %or3A_504, %broadcast_in_dim3A_383, %select_n3A_482 : vector<1x256xi1>, vector<1x256xf32>
          %select_n3A_516 = arith.select %or3A_499, %select_n3A_478, %select_n3A_515 : vector<1x256xi1>, vector<1x256xf32>
          %select_n3A_517 = arith.select %or3A_504, %broadcast_in_dim3A_393, %select_n3A_484 : vector<1x256xi1>, vector<1x256xi32>
          %select_n3A_518 = arith.select %or3A_499, %select_n3A_480, %select_n3A_517 : vector<1x256xi1>, vector<1x256xi32>
          %lt3A_519 = arith.cmpf olt, %broadcast_in_dim3A_401, %select_n3A_505 : vector<1x256xf32>
          %eq3A_520 = arith.cmpf oeq, %broadcast_in_dim3A_401, %select_n3A_505 : vector<1x256xf32>
          %lt3A_521 = arith.cmpi slt, %broadcast_in_dim3A_411, %select_n3A_506 : vector<1x256xi32>
          %and3A_522 = arith.andi %eq3A_520, %lt3A_521 : vector<1x256xi1>
          %or3A_523 = arith.ori %lt3A_519, %and3A_522 : vector<1x256xi1>
          %lt3A_524 = arith.cmpf olt, %broadcast_in_dim3A_401, %select_n3A_508 : vector<1x256xf32>
          %eq3A_525 = arith.cmpf oeq, %broadcast_in_dim3A_401, %select_n3A_508 : vector<1x256xf32>
          %lt3A_526 = arith.cmpi slt, %broadcast_in_dim3A_411, %select_n3A_510 : vector<1x256xi32>
          %and3A_527 = arith.andi %eq3A_525, %lt3A_526 : vector<1x256xi1>
          %or3A_528 = arith.ori %lt3A_524, %and3A_527 : vector<1x256xi1>
          %lt3A_529 = arith.cmpf olt, %broadcast_in_dim3A_401, %select_n3A_512 : vector<1x256xf32>
          %eq3A_530 = arith.cmpf oeq, %broadcast_in_dim3A_401, %select_n3A_512 : vector<1x256xf32>
          %lt3A_531 = arith.cmpi slt, %broadcast_in_dim3A_411, %select_n3A_514 : vector<1x256xi32>
          %and3A_532 = arith.andi %eq3A_530, %lt3A_531 : vector<1x256xi1>
          %or3A_533 = arith.ori %lt3A_529, %and3A_532 : vector<1x256xi1>
          %lt3A_534 = arith.cmpf olt, %broadcast_in_dim3A_401, %select_n3A_516 : vector<1x256xf32>
          %eq3A_535 = arith.cmpf oeq, %broadcast_in_dim3A_401, %select_n3A_516 : vector<1x256xf32>
          %lt3A_536 = arith.cmpi slt, %broadcast_in_dim3A_411, %select_n3A_518 : vector<1x256xi32>
          %and3A_537 = arith.andi %eq3A_535, %lt3A_536 : vector<1x256xi1>
          %or3A_538 = arith.ori %lt3A_534, %and3A_537 : vector<1x256xi1>
          %select_n3A_539 = arith.select %or3A_523, %broadcast_in_dim3A_401, %select_n3A_505 : vector<1x256xi1>, vector<1x256xf32>
          %select_n3A_540 = arith.select %or3A_523, %broadcast_in_dim3A_411, %select_n3A_506 : vector<1x256xi1>, vector<1x256xi32>
          %select_n3A_541 = arith.select %or3A_528, %broadcast_in_dim3A_401, %select_n3A_508 : vector<1x256xi1>, vector<1x256xf32>
          %select_n3A_542 = arith.select %or3A_523, %select_n3A_505, %select_n3A_541 : vector<1x256xi1>, vector<1x256xf32>
          %select_n3A_543 = arith.select %or3A_528, %broadcast_in_dim3A_411, %select_n3A_510 : vector<1x256xi1>, vector<1x256xi32>
          %select_n3A_544 = arith.select %or3A_523, %select_n3A_506, %select_n3A_543 : vector<1x256xi1>, vector<1x256xi32>
          %select_n3A_545 = arith.select %or3A_533, %broadcast_in_dim3A_401, %select_n3A_512 : vector<1x256xi1>, vector<1x256xf32>
          %select_n3A_546 = arith.select %or3A_528, %select_n3A_508, %select_n3A_545 : vector<1x256xi1>, vector<1x256xf32>
          %select_n3A_547 = arith.select %or3A_533, %broadcast_in_dim3A_411, %select_n3A_514 : vector<1x256xi1>, vector<1x256xi32>
          %select_n3A_548 = arith.select %or3A_528, %select_n3A_510, %select_n3A_547 : vector<1x256xi1>, vector<1x256xi32>
          %select_n3A_549 = arith.select %or3A_538, %broadcast_in_dim3A_401, %select_n3A_516 : vector<1x256xi1>, vector<1x256xf32>
          %select_n3A_550 = arith.select %or3A_533, %select_n3A_512, %select_n3A_549 : vector<1x256xi1>, vector<1x256xf32>
          %select_n3A_551 = arith.select %or3A_538, %broadcast_in_dim3A_411, %select_n3A_518 : vector<1x256xi1>, vector<1x256xi32>
          %select_n3A_552 = arith.select %or3A_533, %select_n3A_514, %select_n3A_551 : vector<1x256xi1>, vector<1x256xi32>
          scf.yield %select_n3A_539, %select_n3A_540, %select_n3A_542, %select_n3A_544, %select_n3A_546, %select_n3A_548, %select_n3A_550, %select_n3A_552 : vector<1x256xf32>, vector<1x256xi32>, vector<1x256xf32>, vector<1x256xi32>, vector<1x256xf32>, vector<1x256xi32>, vector<1x256xf32>, vector<1x256xi32>
        }
        %add3A_212 = arith.constant 0 : i32
        %add3A_213 = arith.addi %while3A_193, %add3A_212 : i32
        %lt3A_214 = vector.broadcast %while3A : f32 to vector<1x256xf32>
        %lt3A_215 = arith.cmpf olt, %while3A_211#0, %lt3A_214 : vector<1x256xf32>
        %select_n3A_216 = arith.select %lt3A_215, %while3A_211#1, %add3A_143 : vector<1x256xi1>, vector<1x256xi32>
        %ne3A_217 = arith.cmpi ne, %select_n3A_216, %add3A_143 : vector<1x256xi32>
        %jit3A_218 = arith.constant 1.000000e+00 : f32
        %broadcast_in_dim3A_219 = vector.broadcast %jit3A_218 : f32 to vector<1x256xf32>
        %select_n3A_220 = arith.select %ne3A_217, %while3A_211#0, %broadcast_in_dim3A_219 : vector<1x256xi1>, vector<1x256xf32>
        %sqrt3A = math.sqrt %select_n3A_220 : vector<1x256xf32>
        %jit3A_221 = arith.constant 0.000000e+00 : f32
        %broadcast_in_dim3A_222 = vector.broadcast %jit3A_221 : f32 to vector<1x256xf32>
        %select_n3A_223 = arith.select %ne3A_217, %sqrt3A, %broadcast_in_dim3A_222 : vector<1x256xi1>, vector<1x256xf32>
        %eq3A_224 = vector.broadcast %add3A_213 : i32 to vector<32x1xi32>
        %eq3A_225 = arith.cmpi eq, %iota3A_110, %eq3A_224 : vector<32x1xi32>
        %broadcast_in_dim3A_226 = vector.shape_cast %eq3A_225 : vector<32x1xi1> to vector<32x1xi1>
        %broadcast_in_dim3A_227 = vector.broadcast %broadcast_in_dim3A_226 : vector<32x1xi1> to vector<32x256xi1>
        %broadcast_in_dim3A_228 = vector.shape_cast %select_n3A_216 : vector<1x256xi32> to vector<1x256xi32>
        %broadcast_in_dim3A_229 = vector.broadcast %broadcast_in_dim3A_228 : vector<1x256xi32> to vector<32x256xi32>
        %select_n3A_230 = arith.select %broadcast_in_dim3A_227, %broadcast_in_dim3A_229, %while3A_197 : vector<32x256xi1>, vector<32x256xi32>
        %broadcast_in_dim3A_231 = vector.shape_cast %eq3A_225 : vector<32x1xi1> to vector<32x1xi1>
        %broadcast_in_dim3A_232 = vector.broadcast %broadcast_in_dim3A_231 : vector<32x1xi1> to vector<32x256xi1>
        %broadcast_in_dim3A_233 = vector.shape_cast %select_n3A_223 : vector<1x256xf32> to vector<1x256xf32>
        %broadcast_in_dim3A_234 = vector.broadcast %broadcast_in_dim3A_233 : vector<1x256xf32> to vector<32x256xf32>
        %select_n3A_235 = arith.select %broadcast_in_dim3A_232, %broadcast_in_dim3A_234, %while3A_198 : vector<32x256xi1>, vector<32x256xf32>
        %add3A_236 = arith.constant 1 : i32
        %add3A_237 = arith.addi %while3A_193, %add3A_236 : i32
        %lt3A_238 = vector.broadcast %while3A : f32 to vector<1x256xf32>
        %lt3A_239 = arith.cmpf olt, %while3A_211#2, %lt3A_238 : vector<1x256xf32>
        %select_n3A_240 = arith.select %lt3A_239, %while3A_211#3, %add3A_143 : vector<1x256xi1>, vector<1x256xi32>
        %ne3A_241 = arith.cmpi ne, %select_n3A_240, %add3A_143 : vector<1x256xi32>
        %jit3A_242 = arith.constant 1.000000e+00 : f32
        %broadcast_in_dim3A_243 = vector.broadcast %jit3A_242 : f32 to vector<1x256xf32>
        %select_n3A_244 = arith.select %ne3A_241, %while3A_211#2, %broadcast_in_dim3A_243 : vector<1x256xi1>, vector<1x256xf32>
        %sqrt3A_245 = math.sqrt %select_n3A_244 : vector<1x256xf32>
        %jit3A_246 = arith.constant 0.000000e+00 : f32
        %broadcast_in_dim3A_247 = vector.broadcast %jit3A_246 : f32 to vector<1x256xf32>
        %select_n3A_248 = arith.select %ne3A_241, %sqrt3A_245, %broadcast_in_dim3A_247 : vector<1x256xi1>, vector<1x256xf32>
        %eq3A_249 = vector.broadcast %add3A_237 : i32 to vector<32x1xi32>
        %eq3A_250 = arith.cmpi eq, %iota3A_110, %eq3A_249 : vector<32x1xi32>
        %broadcast_in_dim3A_251 = vector.shape_cast %eq3A_250 : vector<32x1xi1> to vector<32x1xi1>
        %broadcast_in_dim3A_252 = vector.broadcast %broadcast_in_dim3A_251 : vector<32x1xi1> to vector<32x256xi1>
        %broadcast_in_dim3A_253 = vector.shape_cast %select_n3A_240 : vector<1x256xi32> to vector<1x256xi32>
        %broadcast_in_dim3A_254 = vector.broadcast %broadcast_in_dim3A_253 : vector<1x256xi32> to vector<32x256xi32>
        %select_n3A_255 = arith.select %broadcast_in_dim3A_252, %broadcast_in_dim3A_254, %select_n3A_230 : vector<32x256xi1>, vector<32x256xi32>
        %broadcast_in_dim3A_256 = vector.shape_cast %eq3A_250 : vector<32x1xi1> to vector<32x1xi1>
        %broadcast_in_dim3A_257 = vector.broadcast %broadcast_in_dim3A_256 : vector<32x1xi1> to vector<32x256xi1>
        %broadcast_in_dim3A_258 = vector.shape_cast %select_n3A_248 : vector<1x256xf32> to vector<1x256xf32>
        %broadcast_in_dim3A_259 = vector.broadcast %broadcast_in_dim3A_258 : vector<1x256xf32> to vector<32x256xf32>
        %select_n3A_260 = arith.select %broadcast_in_dim3A_257, %broadcast_in_dim3A_259, %select_n3A_235 : vector<32x256xi1>, vector<32x256xf32>
        %add3A_261 = arith.constant 2 : i32
        %add3A_262 = arith.addi %while3A_193, %add3A_261 : i32
        %lt3A_263 = vector.broadcast %while3A : f32 to vector<1x256xf32>
        %lt3A_264 = arith.cmpf olt, %while3A_211#4, %lt3A_263 : vector<1x256xf32>
        %select_n3A_265 = arith.select %lt3A_264, %while3A_211#5, %add3A_143 : vector<1x256xi1>, vector<1x256xi32>
        %ne3A_266 = arith.cmpi ne, %select_n3A_265, %add3A_143 : vector<1x256xi32>
        %jit3A_267 = arith.constant 1.000000e+00 : f32
        %broadcast_in_dim3A_268 = vector.broadcast %jit3A_267 : f32 to vector<1x256xf32>
        %select_n3A_269 = arith.select %ne3A_266, %while3A_211#4, %broadcast_in_dim3A_268 : vector<1x256xi1>, vector<1x256xf32>
        %sqrt3A_270 = math.sqrt %select_n3A_269 : vector<1x256xf32>
        %jit3A_271 = arith.constant 0.000000e+00 : f32
        %broadcast_in_dim3A_272 = vector.broadcast %jit3A_271 : f32 to vector<1x256xf32>
        %select_n3A_273 = arith.select %ne3A_266, %sqrt3A_270, %broadcast_in_dim3A_272 : vector<1x256xi1>, vector<1x256xf32>
        %eq3A_274 = vector.broadcast %add3A_262 : i32 to vector<32x1xi32>
        %eq3A_275 = arith.cmpi eq, %iota3A_110, %eq3A_274 : vector<32x1xi32>
        %broadcast_in_dim3A_276 = vector.shape_cast %eq3A_275 : vector<32x1xi1> to vector<32x1xi1>
        %broadcast_in_dim3A_277 = vector.broadcast %broadcast_in_dim3A_276 : vector<32x1xi1> to vector<32x256xi1>
        %broadcast_in_dim3A_278 = vector.shape_cast %select_n3A_265 : vector<1x256xi32> to vector<1x256xi32>
        %broadcast_in_dim3A_279 = vector.broadcast %broadcast_in_dim3A_278 : vector<1x256xi32> to vector<32x256xi32>
        %select_n3A_280 = arith.select %broadcast_in_dim3A_277, %broadcast_in_dim3A_279, %select_n3A_255 : vector<32x256xi1>, vector<32x256xi32>
        %broadcast_in_dim3A_281 = vector.shape_cast %eq3A_275 : vector<32x1xi1> to vector<32x1xi1>
        %broadcast_in_dim3A_282 = vector.broadcast %broadcast_in_dim3A_281 : vector<32x1xi1> to vector<32x256xi1>
        %broadcast_in_dim3A_283 = vector.shape_cast %select_n3A_273 : vector<1x256xf32> to vector<1x256xf32>
        %broadcast_in_dim3A_284 = vector.broadcast %broadcast_in_dim3A_283 : vector<1x256xf32> to vector<32x256xf32>
        %select_n3A_285 = arith.select %broadcast_in_dim3A_282, %broadcast_in_dim3A_284, %select_n3A_260 : vector<32x256xi1>, vector<32x256xf32>
        %add3A_286 = arith.constant 3 : i32
        %add3A_287 = arith.addi %while3A_193, %add3A_286 : i32
        %lt3A_288 = vector.broadcast %while3A : f32 to vector<1x256xf32>
        %lt3A_289 = arith.cmpf olt, %while3A_211#6, %lt3A_288 : vector<1x256xf32>
        %select_n3A_290 = arith.select %lt3A_289, %while3A_211#7, %add3A_143 : vector<1x256xi1>, vector<1x256xi32>
        %ne3A_291 = arith.cmpi ne, %select_n3A_290, %add3A_143 : vector<1x256xi32>
        %jit3A_292 = arith.constant 1.000000e+00 : f32
        %broadcast_in_dim3A_293 = vector.broadcast %jit3A_292 : f32 to vector<1x256xf32>
        %select_n3A_294 = arith.select %ne3A_291, %while3A_211#6, %broadcast_in_dim3A_293 : vector<1x256xi1>, vector<1x256xf32>
        %sqrt3A_295 = math.sqrt %select_n3A_294 : vector<1x256xf32>
        %jit3A_296 = arith.constant 0.000000e+00 : f32
        %broadcast_in_dim3A_297 = vector.broadcast %jit3A_296 : f32 to vector<1x256xf32>
        %select_n3A_298 = arith.select %ne3A_291, %sqrt3A_295, %broadcast_in_dim3A_297 : vector<1x256xi1>, vector<1x256xf32>
        %eq3A_299 = vector.broadcast %add3A_287 : i32 to vector<32x1xi32>
        %eq3A_300 = arith.cmpi eq, %iota3A_110, %eq3A_299 : vector<32x1xi32>
        %broadcast_in_dim3A_301 = vector.shape_cast %eq3A_300 : vector<32x1xi1> to vector<32x1xi1>
        %broadcast_in_dim3A_302 = vector.broadcast %broadcast_in_dim3A_301 : vector<32x1xi1> to vector<32x256xi1>
        %broadcast_in_dim3A_303 = vector.shape_cast %select_n3A_290 : vector<1x256xi32> to vector<1x256xi32>
        %broadcast_in_dim3A_304 = vector.broadcast %broadcast_in_dim3A_303 : vector<1x256xi32> to vector<32x256xi32>
        %select_n3A_305 = arith.select %broadcast_in_dim3A_302, %broadcast_in_dim3A_304, %select_n3A_280 : vector<32x256xi1>, vector<32x256xi32>
        %broadcast_in_dim3A_306 = vector.shape_cast %eq3A_300 : vector<32x1xi1> to vector<32x1xi1>
        %broadcast_in_dim3A_307 = vector.broadcast %broadcast_in_dim3A_306 : vector<32x1xi1> to vector<32x256xi1>
        %broadcast_in_dim3A_308 = vector.shape_cast %select_n3A_298 : vector<1x256xf32> to vector<1x256xf32>
        %broadcast_in_dim3A_309 = vector.broadcast %broadcast_in_dim3A_308 : vector<1x256xf32> to vector<32x256xf32>
        %select_n3A_310 = arith.select %broadcast_in_dim3A_307, %broadcast_in_dim3A_309, %select_n3A_285 : vector<32x256xi1>, vector<32x256xf32>
        %reduce_min3A = vector.shape_cast %while3A_211#6 : vector<1x256xf32> to vector<1x1x256xf32>
        %reduce_min3A_311 = arith.constant dense<0x7F800000> : vector<1xf32>
        %reduce_min3A_312 = vector.multi_reduction <minimumf>, %reduce_min3A, %reduce_min3A_311 [1, 2] : vector<1x1x256xf32> to vector<1xf32>
        %reduce_min3A_313 = vector.shape_cast %reduce_min3A_312 : vector<1xf32> to vector<1x1x1xf32>
        %reduce_min3A_314 = vector.extract %reduce_min3A_313[0, 0, 0] : f32 from vector<1x1x1xf32>
        %lt3A_315 = arith.cmpf olt, %reduce_min3A_314, %while3A : f32
        %add3A_316 = arith.constant 4 : i32
        %add3A_317 = arith.addi %while3A_193, %add3A_316 : i32
        scf.yield %add3A_317, %lt3A_315, %while3A_211#6, %while3A_211#7, %select_n3A_305, %select_n3A_310 : i32, i1, vector<1x256xf32>, vector<1x256xi32>, vector<32x256xi32>, vector<32x256xf32>
      }
      %get3A_165 = arith.index_cast %while3A_125 : i32 to index
      %get3A_166 = arith.constant 0 : index
      %get3A_167 = arith.constant 0 : index
      %get3A_168 = vector.load %arg8[%get3A_165, %get3A_166, %get3A_167] : memref<32x32x256xi32, #tpu.memory_space<vmem>>, vector<1x32x256xi32>
      %get3A_169 = vector.shape_cast %get3A_168 : vector<1x32x256xi32> to vector<32x256xi32>
      %broadcast_in_dim3A_170 = vector.shape_cast %eq3A_141 : vector<1x256xi1> to vector<1x256xi1>
      %broadcast_in_dim3A_171 = vector.broadcast %broadcast_in_dim3A_170 : vector<1x256xi1> to vector<32x256xi1>
      %select_n3A_172 = arith.select %broadcast_in_dim3A_171, %while3A_164#4, %get3A_169 : vector<32x256xi1>, vector<32x256xi32>
      %swap3A = arith.index_cast %while3A_125 : i32 to index
      %swap3A_173 = arith.constant 0 : index
      %swap3A_174 = arith.constant 0 : index
      %swap3A_175 = vector.load %arg8[%swap3A, %swap3A_173, %swap3A_174] : memref<32x32x256xi32, #tpu.memory_space<vmem>>, vector<1x32x256xi32>
      %swap3A_176 = vector.shape_cast %swap3A_175 : vector<1x32x256xi32> to vector<32x256xi32>
      %swap3A_177 = vector.shape_cast %select_n3A_172 : vector<32x256xi32> to vector<1x32x256xi32>
      tpu.vector_store %arg8[%swap3A, %swap3A_173, %swap3A_174], %swap3A_177 {strides = array<i32>} : memref<32x32x256xi32, #tpu.memory_space<vmem>>, vector<1x32x256xi32>,
      %get3A_178 = arith.index_cast %while3A_125 : i32 to index
      %get3A_179 = arith.constant 0 : index
      %get3A_180 = arith.constant 0 : index
      %get3A_181 = vector.load %arg9[%get3A_178, %get3A_179, %get3A_180] : memref<32x32x256xf32, #tpu.memory_space<vmem>>, vector<1x32x256xf32>
      %get3A_182 = vector.shape_cast %get3A_181 : vector<1x32x256xf32> to vector<32x256xf32>
      %broadcast_in_dim3A_183 = vector.shape_cast %eq3A_141 : vector<1x256xi1> to vector<1x256xi1>
      %broadcast_in_dim3A_184 = vector.broadcast %broadcast_in_dim3A_183 : vector<1x256xi1> to vector<32x256xi1>
      %select_n3A_185 = arith.select %broadcast_in_dim3A_184, %while3A_164#5, %get3A_182 : vector<32x256xi1>, vector<32x256xf32>
      %swap3A_186 = arith.index_cast %while3A_125 : i32 to index
      %swap3A_187 = arith.constant 0 : index
      %swap3A_188 = arith.constant 0 : index
      %swap3A_189 = vector.load %arg9[%swap3A_186, %swap3A_187, %swap3A_188] : memref<32x32x256xf32, #tpu.memory_space<vmem>>, vector<1x32x256xf32>
      %swap3A_190 = vector.shape_cast %swap3A_189 : vector<1x32x256xf32> to vector<32x256xf32>
      %swap3A_191 = vector.shape_cast %select_n3A_185 : vector<32x256xf32> to vector<1x32x256xf32>
      tpu.vector_store %arg9[%swap3A_186, %swap3A_187, %swap3A_188], %swap3A_191 {strides = array<i32>} : memref<32x32x256xf32, #tpu.memory_space<vmem>>, vector<1x32x256xf32>,
      %while3A_192 = arith.constant 0 : i32
      scf.yield %while3A_192 : i32
    }
    %while3A_120 = arith.constant 1 : i32
    %while3A_121 = scf.for %while3A_125 = %while3A_117 to %while3A_113 step %while3A_120 iter_args(%while3A_126 = %while3A_119) -> (i32)  : i32 {
      %mul3A = arith.constant 256 : i32
      %mul3A_127 = arith.muli %while3A_125, %mul3A : i32
      %get3A_128 = arith.constant 0 : index
      %get3A_129 = arith.index_cast %mul3A_127 : i32 to index
      %get3A_130 = vector.load %arg1[%get3A_128, %get3A_129] : memref<3x8192xf32, #tpu.memory_space<vmem>>, vector<1x256xf32>
      %get3A_131 = arith.constant 1 : index
      %get3A_132 = arith.index_cast %mul3A_127 : i32 to index
      %get3A_133 = vector.load %arg1[%get3A_131, %get3A_132] : memref<3x8192xf32, #tpu.memory_space<vmem>>, vector<1x256xf32>
      %get3A_134 = arith.constant 2 : index
      %get3A_135 = arith.index_cast %mul3A_127 : i32 to index
      %get3A_136 = vector.load %arg1[%get3A_134, %get3A_135] : memref<3x8192xf32, #tpu.memory_space<vmem>>, vector<1x256xf32>
      %get3A_137 = arith.constant 0 : index
      %get3A_138 = arith.index_cast %mul3A_127 : i32 to index
      %get3A_139 = vector.load %arg2[%get3A_137, %get3A_138] : memref<1x8192xi32, #tpu.memory_space<vmem>>, vector<1x256xi32>
      %eq3A_140 = vector.broadcast %arg0 : i32 to vector<1x256xi32>
      %eq3A_141 = arith.cmpi eq, %get3A_139, %eq3A_140 : vector<1x256xi32>
      %add3A_142 = vector.broadcast %mul3A_127 : i32 to vector<1x256xi32>
      %add3A_143 = arith.addi %add3A_142, %iota3A_109 : vector<1x256xi32>
      %while3A_144 = arith.constant 0 : i32
      %while3A_145 = arith.subi %select_n3A_56, %select_n3A : i32
      %while3A_146 = arith.addi %select_n3A, %while3A_145 : i32
      %while3A_147 = arith.constant 1 : i32
      %while3A_148 = arith.divsi %while3A_145, %while3A_147 : i32
      %while3A_149 = arith.muli %while3A_148, %while3A_147 : i32
      %while3A_150 = arith.addi %select_n3A, %while3A_149 : i32
      %while3A_151 = arith.constant 1 : i32
      %while3A_152 = scf.for %while3A_193 = %select_n3A to %while3A_150 step %while3A_151 iter_args(%while3A_194 = %while3A_144) -> (i32)  : i32 {
        %get3A_195 = arith.index_cast %while3A_193 : i32 to index
        %get3A_196 = arith.constant 0 : index
        %get3A_197 = arith.constant 0 : index
        %get3A_198 = vector.load %arg3[%get3A_195, %get3A_196, %get3A_197] : memref<64x128x3xf32, #tpu.memory_space<vmem>>, vector<1x128x1xf32>
        %get3A_199 = vector.shape_cast %get3A_198 : vector<1x128x1xf32> to vector<128x1xf32>
        %get3A_200 = arith.index_cast %while3A_193 : i32 to index
        %get3A_201 = arith.constant 0 : index
        %get3A_202 = arith.constant 1 : index
        %get3A_203 = vector.load %arg3[%get3A_200, %get3A_201, %get3A_202] : memref<64x128x3xf32, #tpu.memory_space<vmem>>, vector<1x128x1xf32>
        %get3A_204 = vector.shape_cast %get3A_203 : vector<1x128x1xf32> to vector<128x1xf32>
        %get3A_205 = arith.index_cast %while3A_193 : i32 to index
        %get3A_206 = arith.constant 0 : index
        %get3A_207 = arith.constant 2 : index
        %get3A_208 = vector.load %arg3[%get3A_205, %get3A_206, %get3A_207] : memref<64x128x3xf32, #tpu.memory_space<vmem>>, vector<1x128x1xf32>
        %get3A_209 = vector.shape_cast %get3A_208 : vector<1x128x1xf32> to vector<128x1xf32>
        %sub3A_210 = vector.broadcast %get3A_130 : vector<1x256xf32> to vector<128x256xf32>
        %sub3A_211 = vector.broadcast %get3A_199 : vector<128x1xf32> to vector<128x256xf32>
        %sub3A_212 = arith.subf %sub3A_210, %sub3A_211 : vector<128x256xf32>
        %sub3A_213 = vector.broadcast %get3A_133 : vector<1x256xf32> to vector<128x256xf32>
        %sub3A_214 = vector.broadcast %get3A_204 : vector<128x1xf32> to vector<128x256xf32>
        %sub3A_215 = arith.subf %sub3A_213, %sub3A_214 : vector<128x256xf32>
        %sub3A_216 = vector.broadcast %get3A_136 : vector<1x256xf32> to vector<128x256xf32>
        %sub3A_217 = vector.broadcast %get3A_209 : vector<128x1xf32> to vector<128x256xf32>
        %sub3A_218 = arith.subf %sub3A_216, %sub3A_217 : vector<128x256xf32>
        %mul3A_219 = arith.mulf %sub3A_212, %sub3A_212 : vector<128x256xf32>
        %mul3A_220 = arith.mulf %sub3A_215, %sub3A_215 : vector<128x256xf32>
        %add3A_221 = arith.addf %mul3A_219, %mul3A_220 : vector<128x256xf32>
        %mul3A_222 = arith.mulf %sub3A_218, %sub3A_218 : vector<128x256xf32>
        %add3A_223 = arith.addf %add3A_221, %mul3A_222 : vector<128x256xf32>
        %get3A_224 = arith.index_cast %while3A_193 : i32 to index
        %get3A_225 = arith.constant 0 : index
        %get3A_226 = arith.constant 0 : index
        %get3A_227 = vector.load %arg4[%get3A_224, %get3A_225, %get3A_226] : memref<64x128x1xi32, #tpu.memory_space<vmem>>, vector<1x128x1xi32>
        %get3A_228 = vector.shape_cast %get3A_227 : vector<1x128x1xi32> to vector<128x1xi32>
        %eq3A_229 = vector.broadcast %arg0 : i32 to vector<128x1xi32>
        %eq3A_230 = arith.cmpi eq, %get3A_228, %eq3A_229 : vector<128x1xi32>
        %and3A_231 = vector.broadcast %eq3A_230 : vector<128x1xi1> to vector<128x256xi1>
        %and3A_232 = vector.broadcast %eq3A_141 : vector<1x256xi1> to vector<128x256xi1>
        %and3A_233 = arith.andi %and3A_231, %and3A_232 : vector<128x256xi1>
        %le3A_234 = arith.constant 2.500000e+01 : f32
        %le3A_235 = vector.broadcast %le3A_234 : f32 to vector<128x256xf32>
        %le3A_236 = arith.cmpf ole, %add3A_223, %le3A_235 : vector<128x256xf32>
        %and3A_237 = arith.andi %and3A_233, %le3A_236 : vector<128x256xi1>
        %broadcast_in_dim3A_238 = vector.broadcast %while3A : f32 to vector<128x256xf32>
        %select_n3A_239 = arith.select %and3A_237, %add3A_223, %broadcast_in_dim3A_238 : vector<128x256xi1>, vector<128x256xf32>
        %swap3A_240 = arith.index_cast %while3A_193 : i32 to index
        %swap3A_241 = arith.constant 0 : index
        %swap3A_242 = arith.constant 0 : index
        %swap3A_243 = vector.load %arg7[%swap3A_240, %swap3A_241, %swap3A_242] : memref<64x128x256xf32, #tpu.memory_space<vmem>>, vector<1x128x256xf32>
        %swap3A_244 = vector.shape_cast %swap3A_243 : vector<1x128x256xf32> to vector<128x256xf32>
        %swap3A_245 = vector.shape_cast %select_n3A_239 : vector<128x256xf32> to vector<1x128x256xf32>
        tpu.vector_store %arg7[%swap3A_240, %swap3A_241, %swap3A_242], %swap3A_245 {strides = array<i32>} : memref<64x128x256xf32, #tpu.memory_space<vmem>>, vector<1x128x256xf32>,
        %while3A_246 = arith.constant 0 : i32
        scf.yield %while3A_246 : i32
      }
      %while3A_153 = arith.constant 1 : i32
      %while3A_154 = scf.for %while3A_193 = %while3A_150 to %while3A_146 step %while3A_153 iter_args(%while3A_194 = %while3A_152) -> (i32)  : i32 {
        %get3A_195 = arith.index_cast %while3A_193 : i32 to index
        %get3A_196 = arith.constant 0 : index
        %get3A_197 = arith.constant 0 : index
        %get3A_198 = vector.load %arg3[%get3A_195, %get3A_196, %get3A_197] : memref<64x128x3xf32, #tpu.memory_space<vmem>>, vector<1x128x1xf32>
        %get3A_199 = vector.shape_cast %get3A_198 : vector<1x128x1xf32> to vector<128x1xf32>
        %get3A_200 = arith.index_cast %while3A_193 : i32 to index
        %get3A_201 = arith.constant 0 : index
        %get3A_202 = arith.constant 1 : index
        %get3A_203 = vector.load %arg3[%get3A_200, %get3A_201, %get3A_202] : memref<64x128x3xf32, #tpu.memory_space<vmem>>, vector<1x128x1xf32>
        %get3A_204 = vector.shape_cast %get3A_203 : vector<1x128x1xf32> to vector<128x1xf32>
        %get3A_205 = arith.index_cast %while3A_193 : i32 to index
        %get3A_206 = arith.constant 0 : index
        %get3A_207 = arith.constant 2 : index
        %get3A_208 = vector.load %arg3[%get3A_205, %get3A_206, %get3A_207] : memref<64x128x3xf32, #tpu.memory_space<vmem>>, vector<1x128x1xf32>
        %get3A_209 = vector.shape_cast %get3A_208 : vector<1x128x1xf32> to vector<128x1xf32>
        %sub3A_210 = vector.broadcast %get3A_130 : vector<1x256xf32> to vector<128x256xf32>
        %sub3A_211 = vector.broadcast %get3A_199 : vector<128x1xf32> to vector<128x256xf32>
        %sub3A_212 = arith.subf %sub3A_210, %sub3A_211 : vector<128x256xf32>
        %sub3A_213 = vector.broadcast %get3A_133 : vector<1x256xf32> to vector<128x256xf32>
        %sub3A_214 = vector.broadcast %get3A_204 : vector<128x1xf32> to vector<128x256xf32>
        %sub3A_215 = arith.subf %sub3A_213, %sub3A_214 : vector<128x256xf32>
        %sub3A_216 = vector.broadcast %get3A_136 : vector<1x256xf32> to vector<128x256xf32>
        %sub3A_217 = vector.broadcast %get3A_209 : vector<128x1xf32> to vector<128x256xf32>
        %sub3A_218 = arith.subf %sub3A_216, %sub3A_217 : vector<128x256xf32>
        %mul3A_219 = arith.mulf %sub3A_212, %sub3A_212 : vector<128x256xf32>
        %mul3A_220 = arith.mulf %sub3A_215, %sub3A_215 : vector<128x256xf32>
        %add3A_221 = arith.addf %mul3A_219, %mul3A_220 : vector<128x256xf32>
        %mul3A_222 = arith.mulf %sub3A_218, %sub3A_218 : vector<128x256xf32>
        %add3A_223 = arith.addf %add3A_221, %mul3A_222 : vector<128x256xf32>
        %get3A_224 = arith.index_cast %while3A_193 : i32 to index
        %get3A_225 = arith.constant 0 : index
        %get3A_226 = arith.constant 0 : index
        %get3A_227 = vector.load %arg4[%get3A_224, %get3A_225, %get3A_226] : memref<64x128x1xi32, #tpu.memory_space<vmem>>, vector<1x128x1xi32>
        %get3A_228 = vector.shape_cast %get3A_227 : vector<1x128x1xi32> to vector<128x1xi32>
        %eq3A_229 = vector.broadcast %arg0 : i32 to vector<128x1xi32>
        %eq3A_230 = arith.cmpi eq, %get3A_228, %eq3A_229 : vector<128x1xi32>
        %and3A_231 = vector.broadcast %eq3A_230 : vector<128x1xi1> to vector<128x256xi1>
        %and3A_232 = vector.broadcast %eq3A_141 : vector<1x256xi1> to vector<128x256xi1>
        %and3A_233 = arith.andi %and3A_231, %and3A_232 : vector<128x256xi1>
        %le3A_234 = arith.constant 2.500000e+01 : f32
        %le3A_235 = vector.broadcast %le3A_234 : f32 to vector<128x256xf32>
        %le3A_236 = arith.cmpf ole, %add3A_223, %le3A_235 : vector<128x256xf32>
        %and3A_237 = arith.andi %and3A_233, %le3A_236 : vector<128x256xi1>
        %broadcast_in_dim3A_238 = vector.broadcast %while3A : f32 to vector<128x256xf32>
        %select_n3A_239 = arith.select %and3A_237, %add3A_223, %broadcast_in_dim3A_238 : vector<128x256xi1>, vector<128x256xf32>
        %swap3A_240 = arith.index_cast %while3A_193 : i32 to index
        %swap3A_241 = arith.constant 0 : index
        %swap3A_242 = arith.constant 0 : index
        %swap3A_243 = vector.load %arg7[%swap3A_240, %swap3A_241, %swap3A_242] : memref<64x128x256xf32, #tpu.memory_space<vmem>>, vector<1x128x256xf32>
        %swap3A_244 = vector.shape_cast %swap3A_243 : vector<1x128x256xf32> to vector<128x256xf32>
        %swap3A_245 = vector.shape_cast %select_n3A_239 : vector<128x256xf32> to vector<1x128x256xf32>
        tpu.vector_store %arg7[%swap3A_240, %swap3A_241, %swap3A_242], %swap3A_245 {strides = array<i32>} : memref<64x128x256xf32, #tpu.memory_space<vmem>>, vector<1x128x256xf32>,
        %while3A_246 = arith.constant 0 : i32
        scf.yield %while3A_246 : i32
      }
      %broadcast_in_dim3A = vector.shape_cast %add3A_143 : vector<1x256xi32> to vector<1x256xi32>
      %broadcast_in_dim3A_155 = vector.broadcast %broadcast_in_dim3A : vector<1x256xi32> to vector<32x256xi32>
      %broadcast_in_dim3A_156 = arith.constant 0.000000e+00 : f32
      %broadcast_in_dim3A_157 = vector.broadcast %broadcast_in_dim3A_156 : f32 to vector<32x256xf32>
      %broadcast_in_dim3A_158 = arith.constant 0xFF800000 : f32
      %broadcast_in_dim3A_159 = vector.broadcast %broadcast_in_dim3A_158 : f32 to vector<1x256xf32>
      %broadcast_in_dim3A_160 = arith.constant -1 : i32
      %broadcast_in_dim3A_161 = vector.broadcast %broadcast_in_dim3A_160 : i32 to vector<1x256xi32>
      %while3A_162 = arith.constant 0 : i32
      %while3A_163 = arith.constant true
      %while3A_164:6 = scf.while (%while3A_193 = %while3A_162, %while3A_194 = %while3A_163, %while3A_195 = %broadcast_in_dim3A_159, %while3A_196 = %broadcast_in_dim3A_161, %while3A_197 = %broadcast_in_dim3A_155, %while3A_198 = %broadcast_in_dim3A_157) : (i32, i1, vector<1x256xf32>, vector<1x256xi32>, vector<32x256xi32>, vector<32x256xf32>) -> (i32, i1, vector<1x256xf32>, vector<1x256xi32>, vector<32x256xi32>, vector<32x256xf32>) {
        %lt3A_199 = arith.constant 32 : i32
        %lt3A_200 = arith.cmpi slt, %while3A_193, %lt3A_199 : i32
        %and3A_201 = arith.andi %lt3A_200, %while3A_194 : i1
        scf.condition(%and3A_201) %while3A_193, %while3A_194, %while3A_195, %while3A_196, %while3A_197, %while3A_198 : i32, i1, vector<1x256xf32>, vector<1x256xi32>, vector<32x256xi32>, vector<32x256xf32>
      } do {
      ^bb0(%while3A_193: i32, %while3A_194: i1, %while3A_195: vector<1x256xf32>, %while3A_196: vector<1x256xi32>, %while3A_197: vector<32x256xi32>, %while3A_198: vector<32x256xf32>):
        %broadcast_in_dim3A_199 = vector.broadcast %while3A : f32 to vector<1x256xf32>
        %broadcast_in_dim3A_200 = arith.constant 8192 : i32
        %broadcast_in_dim3A_201 = vector.broadcast %broadcast_in_dim3A_200 : i32 to vector<1x256xi32>
        %while3A_202 = arith.subi %select_n3A_56, %select_n3A : i32
        %while3A_203 = arith.addi %select_n3A, %while3A_202 : i32
        %while3A_204 = arith.constant 1 : i32
        %while3A_205 = arith.divsi %while3A_202, %while3A_204 : i32
        %while3A_206 = arith.muli %while3A_205, %while3A_204 : i32
        %while3A_207 = arith.addi %select_n3A, %while3A_206 : i32
        %while3A_208 = arith.constant 1 : i32
        %while3A_209:8 = scf.for %while3A_318 = %select_n3A to %while3A_207 step %while3A_208 iter_args(%while3A_319 = %broadcast_in_dim3A_199, %while3A_320 = %broadcast_in_dim3A_201, %while3A_321 = %broadcast_in_dim3A_199, %while3A_322 = %broadcast_in_dim3A_201, %while3A_323 = %broadcast_in_dim3A_199, %while3A_324 = %broadcast_in_dim3A_201, %while3A_325 = %broadcast_in_dim3A_199, %while3A_326 = %broadcast_in_dim3A_201) -> (vector<1x256xf32>, vector<1x256xi32>, vector<1x256xf32>, vector<1x256xi32>, vector<1x256xf32>, vector<1x256xi32>, vector<1x256xf32>, vector<1x256xi32>)  : i32 {
          %mul3A_327 = arith.constant 128 : i32
          %mul3A_328 = arith.muli %while3A_318, %mul3A_327 : i32
          %add3A_329 = vector.broadcast %mul3A_328 : i32 to vector<128x1xi32>
          %add3A_330 = arith.addi %iota3A, %add3A_329 : vector<128x1xi32>
          %get3A_331 = arith.index_cast %while3A_318 : i32 to index
          %get3A_332 = arith.constant 0 : index
          %get3A_333 = arith.constant 0 : index
          %get3A_334 = vector.load %arg7[%get3A_331, %get3A_332, %get3A_333] : memref<64x128x256xf32, #tpu.memory_space<vmem>>, vector<1x128x256xf32>
          %get3A_335 = vector.shape_cast %get3A_334 : vector<1x128x256xf32> to vector<128x256xf32>
          %gt3A = vector.broadcast %while3A_195 : vector<1x256xf32> to vector<128x256xf32>
          %gt3A_336 = arith.cmpf ogt, %get3A_335, %gt3A : vector<128x256xf32>
          %eq3A_337 = vector.broadcast %while3A_195 : vector<1x256xf32> to vector<128x256xf32>
          %eq3A_338 = arith.cmpf oeq, %get3A_335, %eq3A_337 : vector<128x256xf32>
          %gt3A_339 = vector.broadcast %add3A_330 : vector<128x1xi32> to vector<128x256xi32>
          %gt3A_340 = vector.broadcast %while3A_196 : vector<1x256xi32> to vector<128x256xi32>
          %gt3A_341 = arith.cmpi sgt, %gt3A_339, %gt3A_340 : vector<128x256xi32>
          %and3A_342 = arith.andi %eq3A_338, %gt3A_341 : vector<128x256xi1>
          %or3A = arith.ori %gt3A_336, %and3A_342 : vector<128x256xi1>
          %broadcast_in_dim3A_343 = vector.broadcast %while3A : f32 to vector<128x256xf32>
          %select_n3A_344 = arith.select %or3A, %get3A_335, %broadcast_in_dim3A_343 : vector<128x256xi1>, vector<128x256xf32>
          %reduce_min3A_345 = arith.constant dense<0x7F800000> : vector<256xf32>
          %reduce_min3A_346 = vector.multi_reduction <minimumf>, %select_n3A_344, %reduce_min3A_345 [0] : vector<128x256xf32> to vector<256xf32>
          %broadcast_in_dim3A_347 = vector.shape_cast %reduce_min3A_346 : vector<256xf32> to vector<1x256xf32>
          %eq3A_348 = vector.broadcast %broadcast_in_dim3A_347 : vector<1x256xf32> to vector<128x256xf32>
          %eq3A_349 = arith.cmpf oeq, %select_n3A_344, %eq3A_348 : vector<128x256xf32>
          %jit3A_350 = arith.constant 8192 : i32
          %broadcast_in_dim3A_351 = vector.shape_cast %add3A_330 : vector<128x1xi32> to vector<128x1xi32>
          %broadcast_in_dim3A_352 = vector.broadcast %broadcast_in_dim3A_351 : vector<128x1xi32> to vector<128x256xi32>
          %broadcast_in_dim3A_353 = vector.broadcast %jit3A_350 : i32 to vector<128x256xi32>
          %select_n3A_354 = arith.select %eq3A_349, %broadcast_in_dim3A_352, %broadcast_in_dim3A_353 : vector<128x256xi1>, vector<128x256xi32>
          %reduce_min3A_355 = arith.constant dense<2147483647> : vector<256xi32>
          %reduce_min3A_356 = vector.multi_reduction <minsi>, %select_n3A_354, %reduce_min3A_355 [0] : vector<128x256xi32> to vector<256xi32>
          %broadcast_in_dim3A_357 = vector.shape_cast %reduce_min3A_356 : vector<256xi32> to vector<1x256xi32>
          %eq3A_358 = vector.broadcast %add3A_330 : vector<128x1xi32> to vector<128x256xi32>
          %eq3A_359 = vector.broadcast %broadcast_in_dim3A_357 : vector<1x256xi32> to vector<128x256xi32>
          %eq3A_360 = arith.cmpi eq, %eq3A_358, %eq3A_359 : vector<128x256xi32>
          %broadcast_in_dim3A_361 = vector.broadcast %while3A : f32 to vector<128x256xf32>
          %select_n3A_362 = arith.select %eq3A_360, %broadcast_in_dim3A_361, %select_n3A_344 : vector<128x256xi1>, vector<128x256xf32>
          %reduce_min3A_363 = arith.constant dense<0x7F800000> : vector<256xf32>
          %reduce_min3A_364 = vector.multi_reduction <minimumf>, %select_n3A_362, %reduce_min3A_363 [0] : vector<128x256xf32> to vector<256xf32>
          %broadcast_in_dim3A_365 = vector.shape_cast %reduce_min3A_364 : vector<256xf32> to vector<1x256xf32>
          %eq3A_366 = vector.broadcast %broadcast_in_dim3A_365 : vector<1x256xf32> to vector<128x256xf32>
          %eq3A_367 = arith.cmpf oeq, %select_n3A_362, %eq3A_366 : vector<128x256xf32>
          %jit3A_368 = arith.constant 8192 : i32
          %broadcast_in_dim3A_369 = vector.shape_cast %add3A_330 : vector<128x1xi32> to vector<128x1xi32>
          %broadcast_in_dim3A_370 = vector.broadcast %broadcast_in_dim3A_369 : vector<128x1xi32> to vector<128x256xi32>
          %broadcast_in_dim3A_371 = vector.broadcast %jit3A_368 : i32 to vector<128x256xi32>
          %select_n3A_372 = arith.select %eq3A_367, %broadcast_in_dim3A_370, %broadcast_in_dim3A_371 : vector<128x256xi1>, vector<128x256xi32>
          %reduce_min3A_373 = arith.constant dense<2147483647> : vector<256xi32>
          %reduce_min3A_374 = vector.multi_reduction <minsi>, %select_n3A_372, %reduce_min3A_373 [0] : vector<128x256xi32> to vector<256xi32>
          %broadcast_in_dim3A_375 = vector.shape_cast %reduce_min3A_374 : vector<256xi32> to vector<1x256xi32>
          %eq3A_376 = vector.broadcast %add3A_330 : vector<128x1xi32> to vector<128x256xi32>
          %eq3A_377 = vector.broadcast %broadcast_in_dim3A_375 : vector<1x256xi32> to vector<128x256xi32>
          %eq3A_378 = arith.cmpi eq, %eq3A_376, %eq3A_377 : vector<128x256xi32>
          %broadcast_in_dim3A_379 = vector.broadcast %while3A : f32 to vector<128x256xf32>
          %select_n3A_380 = arith.select %eq3A_378, %broadcast_in_dim3A_379, %select_n3A_362 : vector<128x256xi1>, vector<128x256xf32>
          %reduce_min3A_381 = arith.constant dense<0x7F800000> : vector<256xf32>
          %reduce_min3A_382 = vector.multi_reduction <minimumf>, %select_n3A_380, %reduce_min3A_381 [0] : vector<128x256xf32> to vector<256xf32>
          %broadcast_in_dim3A_383 = vector.shape_cast %reduce_min3A_382 : vector<256xf32> to vector<1x256xf32>
          %eq3A_384 = vector.broadcast %broadcast_in_dim3A_383 : vector<1x256xf32> to vector<128x256xf32>
          %eq3A_385 = arith.cmpf oeq, %select_n3A_380, %eq3A_384 : vector<128x256xf32>
          %jit3A_386 = arith.constant 8192 : i32
          %broadcast_in_dim3A_387 = vector.shape_cast %add3A_330 : vector<128x1xi32> to vector<128x1xi32>
          %broadcast_in_dim3A_388 = vector.broadcast %broadcast_in_dim3A_387 : vector<128x1xi32> to vector<128x256xi32>
          %broadcast_in_dim3A_389 = vector.broadcast %jit3A_386 : i32 to vector<128x256xi32>
          %select_n3A_390 = arith.select %eq3A_385, %broadcast_in_dim3A_388, %broadcast_in_dim3A_389 : vector<128x256xi1>, vector<128x256xi32>
          %reduce_min3A_391 = arith.constant dense<2147483647> : vector<256xi32>
          %reduce_min3A_392 = vector.multi_reduction <minsi>, %select_n3A_390, %reduce_min3A_391 [0] : vector<128x256xi32> to vector<256xi32>
          %broadcast_in_dim3A_393 = vector.shape_cast %reduce_min3A_392 : vector<256xi32> to vector<1x256xi32>
          %eq3A_394 = vector.broadcast %add3A_330 : vector<128x1xi32> to vector<128x256xi32>
          %eq3A_395 = vector.broadcast %broadcast_in_dim3A_393 : vector<1x256xi32> to vector<128x256xi32>
          %eq3A_396 = arith.cmpi eq, %eq3A_394, %eq3A_395 : vector<128x256xi32>
          %broadcast_in_dim3A_397 = vector.broadcast %while3A : f32 to vector<128x256xf32>
          %select_n3A_398 = arith.select %eq3A_396, %broadcast_in_dim3A_397, %select_n3A_380 : vector<128x256xi1>, vector<128x256xf32>
          %reduce_min3A_399 = arith.constant dense<0x7F800000> : vector<256xf32>
          %reduce_min3A_400 = vector.multi_reduction <minimumf>, %select_n3A_398, %reduce_min3A_399 [0] : vector<128x256xf32> to vector<256xf32>
          %broadcast_in_dim3A_401 = vector.shape_cast %reduce_min3A_400 : vector<256xf32> to vector<1x256xf32>
          %eq3A_402 = vector.broadcast %broadcast_in_dim3A_401 : vector<1x256xf32> to vector<128x256xf32>
          %eq3A_403 = arith.cmpf oeq, %select_n3A_398, %eq3A_402 : vector<128x256xf32>
          %jit3A_404 = arith.constant 8192 : i32
          %broadcast_in_dim3A_405 = vector.shape_cast %add3A_330 : vector<128x1xi32> to vector<128x1xi32>
          %broadcast_in_dim3A_406 = vector.broadcast %broadcast_in_dim3A_405 : vector<128x1xi32> to vector<128x256xi32>
          %broadcast_in_dim3A_407 = vector.broadcast %jit3A_404 : i32 to vector<128x256xi32>
          %select_n3A_408 = arith.select %eq3A_403, %broadcast_in_dim3A_406, %broadcast_in_dim3A_407 : vector<128x256xi1>, vector<128x256xi32>
          %reduce_min3A_409 = arith.constant dense<2147483647> : vector<256xi32>
          %reduce_min3A_410 = vector.multi_reduction <minsi>, %select_n3A_408, %reduce_min3A_409 [0] : vector<128x256xi32> to vector<256xi32>
          %broadcast_in_dim3A_411 = vector.shape_cast %reduce_min3A_410 : vector<256xi32> to vector<1x256xi32>
          %eq3A_412 = vector.broadcast %add3A_330 : vector<128x1xi32> to vector<128x256xi32>
          %eq3A_413 = vector.broadcast %broadcast_in_dim3A_411 : vector<1x256xi32> to vector<128x256xi32>
          %eq3A_414 = arith.cmpi eq, %eq3A_412, %eq3A_413 : vector<128x256xi32>
          %broadcast_in_dim3A_415 = vector.broadcast %while3A : f32 to vector<128x256xf32>
          %select_n3A_416 = arith.select %eq3A_414, %broadcast_in_dim3A_415, %select_n3A_398 : vector<128x256xi1>, vector<128x256xf32>
          %lt3A_417 = arith.cmpf olt, %broadcast_in_dim3A_347, %while3A_319 : vector<1x256xf32>
          %eq3A_418 = arith.cmpf oeq, %broadcast_in_dim3A_347, %while3A_319 : vector<1x256xf32>
          %lt3A_419 = arith.cmpi slt, %broadcast_in_dim3A_357, %while3A_320 : vector<1x256xi32>
          %and3A_420 = arith.andi %eq3A_418, %lt3A_419 : vector<1x256xi1>
          %or3A_421 = arith.ori %lt3A_417, %and3A_420 : vector<1x256xi1>
          %lt3A_422 = arith.cmpf olt, %broadcast_in_dim3A_347, %while3A_321 : vector<1x256xf32>
          %eq3A_423 = arith.cmpf oeq, %broadcast_in_dim3A_347, %while3A_321 : vector<1x256xf32>
          %lt3A_424 = arith.cmpi slt, %broadcast_in_dim3A_357, %while3A_322 : vector<1x256xi32>
          %and3A_425 = arith.andi %eq3A_423, %lt3A_424 : vector<1x256xi1>
          %or3A_426 = arith.ori %lt3A_422, %and3A_425 : vector<1x256xi1>
          %lt3A_427 = arith.cmpf olt, %broadcast_in_dim3A_347, %while3A_323 : vector<1x256xf32>
          %eq3A_428 = arith.cmpf oeq, %broadcast_in_dim3A_347, %while3A_323 : vector<1x256xf32>
          %lt3A_429 = arith.cmpi slt, %broadcast_in_dim3A_357, %while3A_324 : vector<1x256xi32>
          %and3A_430 = arith.andi %eq3A_428, %lt3A_429 : vector<1x256xi1>
          %or3A_431 = arith.ori %lt3A_427, %and3A_430 : vector<1x256xi1>
          %lt3A_432 = arith.cmpf olt, %broadcast_in_dim3A_347, %while3A_325 : vector<1x256xf32>
          %eq3A_433 = arith.cmpf oeq, %broadcast_in_dim3A_347, %while3A_325 : vector<1x256xf32>
          %lt3A_434 = arith.cmpi slt, %broadcast_in_dim3A_357, %while3A_326 : vector<1x256xi32>
          %and3A_435 = arith.andi %eq3A_433, %lt3A_434 : vector<1x256xi1>
          %or3A_436 = arith.ori %lt3A_432, %and3A_435 : vector<1x256xi1>
          %select_n3A_437 = arith.select %or3A_421, %broadcast_in_dim3A_347, %while3A_319 : vector<1x256xi1>, vector<1x256xf32>
          %select_n3A_438 = arith.select %or3A_421, %broadcast_in_dim3A_357, %while3A_320 : vector<1x256xi1>, vector<1x256xi32>
          %select_n3A_439 = arith.select %or3A_426, %broadcast_in_dim3A_347, %while3A_321 : vector<1x256xi1>, vector<1x256xf32>
          %select_n3A_440 = arith.select %or3A_421, %while3A_319, %select_n3A_439 : vector<1x256xi1>, vector<1x256xf32>
          %select_n3A_441 = arith.select %or3A_426, %broadcast_in_dim3A_357, %while3A_322 : vector<1x256xi1>, vector<1x256xi32>
          %select_n3A_442 = arith.select %or3A_421, %while3A_320, %select_n3A_441 : vector<1x256xi1>, vector<1x256xi32>
          %select_n3A_443 = arith.select %or3A_431, %broadcast_in_dim3A_347, %while3A_323 : vector<1x256xi1>, vector<1x256xf32>
          %select_n3A_444 = arith.select %or3A_426, %while3A_321, %select_n3A_443 : vector<1x256xi1>, vector<1x256xf32>
          %select_n3A_445 = arith.select %or3A_431, %broadcast_in_dim3A_357, %while3A_324 : vector<1x256xi1>, vector<1x256xi32>
          %select_n3A_446 = arith.select %or3A_426, %while3A_322, %select_n3A_445 : vector<1x256xi1>, vector<1x256xi32>
          %select_n3A_447 = arith.select %or3A_436, %broadcast_in_dim3A_347, %while3A_325 : vector<1x256xi1>, vector<1x256xf32>
          %select_n3A_448 = arith.select %or3A_431, %while3A_323, %select_n3A_447 : vector<1x256xi1>, vector<1x256xf32>
          %select_n3A_449 = arith.select %or3A_436, %broadcast_in_dim3A_357, %while3A_326 : vector<1x256xi1>, vector<1x256xi32>
          %select_n3A_450 = arith.select %or3A_431, %while3A_324, %select_n3A_449 : vector<1x256xi1>, vector<1x256xi32>
          %lt3A_451 = arith.cmpf olt, %broadcast_in_dim3A_365, %select_n3A_437 : vector<1x256xf32>
          %eq3A_452 = arith.cmpf oeq, %broadcast_in_dim3A_365, %select_n3A_437 : vector<1x256xf32>
          %lt3A_453 = arith.cmpi slt, %broadcast_in_dim3A_375, %select_n3A_438 : vector<1x256xi32>
          %and3A_454 = arith.andi %eq3A_452, %lt3A_453 : vector<1x256xi1>
          %or3A_455 = arith.ori %lt3A_451, %and3A_454 : vector<1x256xi1>
          %lt3A_456 = arith.cmpf olt, %broadcast_in_dim3A_365, %select_n3A_440 : vector<1x256xf32>
          %eq3A_457 = arith.cmpf oeq, %broadcast_in_dim3A_365, %select_n3A_440 : vector<1x256xf32>
          %lt3A_458 = arith.cmpi slt, %broadcast_in_dim3A_375, %select_n3A_442 : vector<1x256xi32>
          %and3A_459 = arith.andi %eq3A_457, %lt3A_458 : vector<1x256xi1>
          %or3A_460 = arith.ori %lt3A_456, %and3A_459 : vector<1x256xi1>
          %lt3A_461 = arith.cmpf olt, %broadcast_in_dim3A_365, %select_n3A_444 : vector<1x256xf32>
          %eq3A_462 = arith.cmpf oeq, %broadcast_in_dim3A_365, %select_n3A_444 : vector<1x256xf32>
          %lt3A_463 = arith.cmpi slt, %broadcast_in_dim3A_375, %select_n3A_446 : vector<1x256xi32>
          %and3A_464 = arith.andi %eq3A_462, %lt3A_463 : vector<1x256xi1>
          %or3A_465 = arith.ori %lt3A_461, %and3A_464 : vector<1x256xi1>
          %lt3A_466 = arith.cmpf olt, %broadcast_in_dim3A_365, %select_n3A_448 : vector<1x256xf32>
          %eq3A_467 = arith.cmpf oeq, %broadcast_in_dim3A_365, %select_n3A_448 : vector<1x256xf32>
          %lt3A_468 = arith.cmpi slt, %broadcast_in_dim3A_375, %select_n3A_450 : vector<1x256xi32>
          %and3A_469 = arith.andi %eq3A_467, %lt3A_468 : vector<1x256xi1>
          %or3A_470 = arith.ori %lt3A_466, %and3A_469 : vector<1x256xi1>
          %select_n3A_471 = arith.select %or3A_455, %broadcast_in_dim3A_365, %select_n3A_437 : vector<1x256xi1>, vector<1x256xf32>
          %select_n3A_472 = arith.select %or3A_455, %broadcast_in_dim3A_375, %select_n3A_438 : vector<1x256xi1>, vector<1x256xi32>
          %select_n3A_473 = arith.select %or3A_460, %broadcast_in_dim3A_365, %select_n3A_440 : vector<1x256xi1>, vector<1x256xf32>
          %select_n3A_474 = arith.select %or3A_455, %select_n3A_437, %select_n3A_473 : vector<1x256xi1>, vector<1x256xf32>
          %select_n3A_475 = arith.select %or3A_460, %broadcast_in_dim3A_375, %select_n3A_442 : vector<1x256xi1>, vector<1x256xi32>
          %select_n3A_476 = arith.select %or3A_455, %select_n3A_438, %select_n3A_475 : vector<1x256xi1>, vector<1x256xi32>
          %select_n3A_477 = arith.select %or3A_465, %broadcast_in_dim3A_365, %select_n3A_444 : vector<1x256xi1>, vector<1x256xf32>
          %select_n3A_478 = arith.select %or3A_460, %select_n3A_440, %select_n3A_477 : vector<1x256xi1>, vector<1x256xf32>
          %select_n3A_479 = arith.select %or3A_465, %broadcast_in_dim3A_375, %select_n3A_446 : vector<1x256xi1>, vector<1x256xi32>
          %select_n3A_480 = arith.select %or3A_460, %select_n3A_442, %select_n3A_479 : vector<1x256xi1>, vector<1x256xi32>
          %select_n3A_481 = arith.select %or3A_470, %broadcast_in_dim3A_365, %select_n3A_448 : vector<1x256xi1>, vector<1x256xf32>
          %select_n3A_482 = arith.select %or3A_465, %select_n3A_444, %select_n3A_481 : vector<1x256xi1>, vector<1x256xf32>
          %select_n3A_483 = arith.select %or3A_470, %broadcast_in_dim3A_375, %select_n3A_450 : vector<1x256xi1>, vector<1x256xi32>
          %select_n3A_484 = arith.select %or3A_465, %select_n3A_446, %select_n3A_483 : vector<1x256xi1>, vector<1x256xi32>
          %lt3A_485 = arith.cmpf olt, %broadcast_in_dim3A_383, %select_n3A_471 : vector<1x256xf32>
          %eq3A_486 = arith.cmpf oeq, %broadcast_in_dim3A_383, %select_n3A_471 : vector<1x256xf32>
          %lt3A_487 = arith.cmpi slt, %broadcast_in_dim3A_393, %select_n3A_472 : vector<1x256xi32>
          %and3A_488 = arith.andi %eq3A_486, %lt3A_487 : vector<1x256xi1>
          %or3A_489 = arith.ori %lt3A_485, %and3A_488 : vector<1x256xi1>
          %lt3A_490 = arith.cmpf olt, %broadcast_in_dim3A_383, %select_n3A_474 : vector<1x256xf32>
          %eq3A_491 = arith.cmpf oeq, %broadcast_in_dim3A_383, %select_n3A_474 : vector<1x256xf32>
          %lt3A_492 = arith.cmpi slt, %broadcast_in_dim3A_393, %select_n3A_476 : vector<1x256xi32>
          %and3A_493 = arith.andi %eq3A_491, %lt3A_492 : vector<1x256xi1>
          %or3A_494 = arith.ori %lt3A_490, %and3A_493 : vector<1x256xi1>
          %lt3A_495 = arith.cmpf olt, %broadcast_in_dim3A_383, %select_n3A_478 : vector<1x256xf32>
          %eq3A_496 = arith.cmpf oeq, %broadcast_in_dim3A_383, %select_n3A_478 : vector<1x256xf32>
          %lt3A_497 = arith.cmpi slt, %broadcast_in_dim3A_393, %select_n3A_480 : vector<1x256xi32>
          %and3A_498 = arith.andi %eq3A_496, %lt3A_497 : vector<1x256xi1>
          %or3A_499 = arith.ori %lt3A_495, %and3A_498 : vector<1x256xi1>
          %lt3A_500 = arith.cmpf olt, %broadcast_in_dim3A_383, %select_n3A_482 : vector<1x256xf32>
          %eq3A_501 = arith.cmpf oeq, %broadcast_in_dim3A_383, %select_n3A_482 : vector<1x256xf32>
          %lt3A_502 = arith.cmpi slt, %broadcast_in_dim3A_393, %select_n3A_484 : vector<1x256xi32>
          %and3A_503 = arith.andi %eq3A_501, %lt3A_502 : vector<1x256xi1>
          %or3A_504 = arith.ori %lt3A_500, %and3A_503 : vector<1x256xi1>
          %select_n3A_505 = arith.select %or3A_489, %broadcast_in_dim3A_383, %select_n3A_471 : vector<1x256xi1>, vector<1x256xf32>
          %select_n3A_506 = arith.select %or3A_489, %broadcast_in_dim3A_393, %select_n3A_472 : vector<1x256xi1>, vector<1x256xi32>
          %select_n3A_507 = arith.select %or3A_494, %broadcast_in_dim3A_383, %select_n3A_474 : vector<1x256xi1>, vector<1x256xf32>
          %select_n3A_508 = arith.select %or3A_489, %select_n3A_471, %select_n3A_507 : vector<1x256xi1>, vector<1x256xf32>
          %select_n3A_509 = arith.select %or3A_494, %broadcast_in_dim3A_393, %select_n3A_476 : vector<1x256xi1>, vector<1x256xi32>
          %select_n3A_510 = arith.select %or3A_489, %select_n3A_472, %select_n3A_509 : vector<1x256xi1>, vector<1x256xi32>
          %select_n3A_511 = arith.select %or3A_499, %broadcast_in_dim3A_383, %select_n3A_478 : vector<1x256xi1>, vector<1x256xf32>
          %select_n3A_512 = arith.select %or3A_494, %select_n3A_474, %select_n3A_511 : vector<1x256xi1>, vector<1x256xf32>
          %select_n3A_513 = arith.select %or3A_499, %broadcast_in_dim3A_393, %select_n3A_480 : vector<1x256xi1>, vector<1x256xi32>
          %select_n3A_514 = arith.select %or3A_494, %select_n3A_476, %select_n3A_513 : vector<1x256xi1>, vector<1x256xi32>
          %select_n3A_515 = arith.select %or3A_504, %broadcast_in_dim3A_383, %select_n3A_482 : vector<1x256xi1>, vector<1x256xf32>
          %select_n3A_516 = arith.select %or3A_499, %select_n3A_478, %select_n3A_515 : vector<1x256xi1>, vector<1x256xf32>
          %select_n3A_517 = arith.select %or3A_504, %broadcast_in_dim3A_393, %select_n3A_484 : vector<1x256xi1>, vector<1x256xi32>
          %select_n3A_518 = arith.select %or3A_499, %select_n3A_480, %select_n3A_517 : vector<1x256xi1>, vector<1x256xi32>
          %lt3A_519 = arith.cmpf olt, %broadcast_in_dim3A_401, %select_n3A_505 : vector<1x256xf32>
          %eq3A_520 = arith.cmpf oeq, %broadcast_in_dim3A_401, %select_n3A_505 : vector<1x256xf32>
          %lt3A_521 = arith.cmpi slt, %broadcast_in_dim3A_411, %select_n3A_506 : vector<1x256xi32>
          %and3A_522 = arith.andi %eq3A_520, %lt3A_521 : vector<1x256xi1>
          %or3A_523 = arith.ori %lt3A_519, %and3A_522 : vector<1x256xi1>
          %lt3A_524 = arith.cmpf olt, %broadcast_in_dim3A_401, %select_n3A_508 : vector<1x256xf32>
          %eq3A_525 = arith.cmpf oeq, %broadcast_in_dim3A_401, %select_n3A_508 : vector<1x256xf32>
          %lt3A_526 = arith.cmpi slt, %broadcast_in_dim3A_411, %select_n3A_510 : vector<1x256xi32>
          %and3A_527 = arith.andi %eq3A_525, %lt3A_526 : vector<1x256xi1>
          %or3A_528 = arith.ori %lt3A_524, %and3A_527 : vector<1x256xi1>
          %lt3A_529 = arith.cmpf olt, %broadcast_in_dim3A_401, %select_n3A_512 : vector<1x256xf32>
          %eq3A_530 = arith.cmpf oeq, %broadcast_in_dim3A_401, %select_n3A_512 : vector<1x256xf32>
          %lt3A_531 = arith.cmpi slt, %broadcast_in_dim3A_411, %select_n3A_514 : vector<1x256xi32>
          %and3A_532 = arith.andi %eq3A_530, %lt3A_531 : vector<1x256xi1>
          %or3A_533 = arith.ori %lt3A_529, %and3A_532 : vector<1x256xi1>
          %lt3A_534 = arith.cmpf olt, %broadcast_in_dim3A_401, %select_n3A_516 : vector<1x256xf32>
          %eq3A_535 = arith.cmpf oeq, %broadcast_in_dim3A_401, %select_n3A_516 : vector<1x256xf32>
          %lt3A_536 = arith.cmpi slt, %broadcast_in_dim3A_411, %select_n3A_518 : vector<1x256xi32>
          %and3A_537 = arith.andi %eq3A_535, %lt3A_536 : vector<1x256xi1>
          %or3A_538 = arith.ori %lt3A_534, %and3A_537 : vector<1x256xi1>
          %select_n3A_539 = arith.select %or3A_523, %broadcast_in_dim3A_401, %select_n3A_505 : vector<1x256xi1>, vector<1x256xf32>
          %select_n3A_540 = arith.select %or3A_523, %broadcast_in_dim3A_411, %select_n3A_506 : vector<1x256xi1>, vector<1x256xi32>
          %select_n3A_541 = arith.select %or3A_528, %broadcast_in_dim3A_401, %select_n3A_508 : vector<1x256xi1>, vector<1x256xf32>
          %select_n3A_542 = arith.select %or3A_523, %select_n3A_505, %select_n3A_541 : vector<1x256xi1>, vector<1x256xf32>
          %select_n3A_543 = arith.select %or3A_528, %broadcast_in_dim3A_411, %select_n3A_510 : vector<1x256xi1>, vector<1x256xi32>
          %select_n3A_544 = arith.select %or3A_523, %select_n3A_506, %select_n3A_543 : vector<1x256xi1>, vector<1x256xi32>
          %select_n3A_545 = arith.select %or3A_533, %broadcast_in_dim3A_401, %select_n3A_512 : vector<1x256xi1>, vector<1x256xf32>
          %select_n3A_546 = arith.select %or3A_528, %select_n3A_508, %select_n3A_545 : vector<1x256xi1>, vector<1x256xf32>
          %select_n3A_547 = arith.select %or3A_533, %broadcast_in_dim3A_411, %select_n3A_514 : vector<1x256xi1>, vector<1x256xi32>
          %select_n3A_548 = arith.select %or3A_528, %select_n3A_510, %select_n3A_547 : vector<1x256xi1>, vector<1x256xi32>
          %select_n3A_549 = arith.select %or3A_538, %broadcast_in_dim3A_401, %select_n3A_516 : vector<1x256xi1>, vector<1x256xf32>
          %select_n3A_550 = arith.select %or3A_533, %select_n3A_512, %select_n3A_549 : vector<1x256xi1>, vector<1x256xf32>
          %select_n3A_551 = arith.select %or3A_538, %broadcast_in_dim3A_411, %select_n3A_518 : vector<1x256xi1>, vector<1x256xi32>
          %select_n3A_552 = arith.select %or3A_533, %select_n3A_514, %select_n3A_551 : vector<1x256xi1>, vector<1x256xi32>
          scf.yield %select_n3A_539, %select_n3A_540, %select_n3A_542, %select_n3A_544, %select_n3A_546, %select_n3A_548, %select_n3A_550, %select_n3A_552 : vector<1x256xf32>, vector<1x256xi32>, vector<1x256xf32>, vector<1x256xi32>, vector<1x256xf32>, vector<1x256xi32>, vector<1x256xf32>, vector<1x256xi32>
        }
        %while3A_210 = arith.constant 1 : i32
        %while3A_211:8 = scf.for %while3A_318 = %while3A_207 to %while3A_203 step %while3A_210 iter_args(%while3A_319 = %while3A_209#0, %while3A_320 = %while3A_209#1, %while3A_321 = %while3A_209#2, %while3A_322 = %while3A_209#3, %while3A_323 = %while3A_209#4, %while3A_324 = %while3A_209#5, %while3A_325 = %while3A_209#6, %while3A_326 = %while3A_209#7) -> (vector<1x256xf32>, vector<1x256xi32>, vector<1x256xf32>, vector<1x256xi32>, vector<1x256xf32>, vector<1x256xi32>, vector<1x256xf32>, vector<1x256xi32>)  : i32 {
          %mul3A_327 = arith.constant 128 : i32
          %mul3A_328 = arith.muli %while3A_318, %mul3A_327 : i32
          %add3A_329 = vector.broadcast %mul3A_328 : i32 to vector<128x1xi32>
          %add3A_330 = arith.addi %iota3A, %add3A_329 : vector<128x1xi32>
          %get3A_331 = arith.index_cast %while3A_318 : i32 to index
          %get3A_332 = arith.constant 0 : index
          %get3A_333 = arith.constant 0 : index
          %get3A_334 = vector.load %arg7[%get3A_331, %get3A_332, %get3A_333] : memref<64x128x256xf32, #tpu.memory_space<vmem>>, vector<1x128x256xf32>
          %get3A_335 = vector.shape_cast %get3A_334 : vector<1x128x256xf32> to vector<128x256xf32>
          %gt3A = vector.broadcast %while3A_195 : vector<1x256xf32> to vector<128x256xf32>
          %gt3A_336 = arith.cmpf ogt, %get3A_335, %gt3A : vector<128x256xf32>
          %eq3A_337 = vector.broadcast %while3A_195 : vector<1x256xf32> to vector<128x256xf32>
          %eq3A_338 = arith.cmpf oeq, %get3A_335, %eq3A_337 : vector<128x256xf32>
          %gt3A_339 = vector.broadcast %add3A_330 : vector<128x1xi32> to vector<128x256xi32>
          %gt3A_340 = vector.broadcast %while3A_196 : vector<1x256xi32> to vector<128x256xi32>
          %gt3A_341 = arith.cmpi sgt, %gt3A_339, %gt3A_340 : vector<128x256xi32>
          %and3A_342 = arith.andi %eq3A_338, %gt3A_341 : vector<128x256xi1>
          %or3A = arith.ori %gt3A_336, %and3A_342 : vector<128x256xi1>
          %broadcast_in_dim3A_343 = vector.broadcast %while3A : f32 to vector<128x256xf32>
          %select_n3A_344 = arith.select %or3A, %get3A_335, %broadcast_in_dim3A_343 : vector<128x256xi1>, vector<128x256xf32>
          %reduce_min3A_345 = arith.constant dense<0x7F800000> : vector<256xf32>
          %reduce_min3A_346 = vector.multi_reduction <minimumf>, %select_n3A_344, %reduce_min3A_345 [0] : vector<128x256xf32> to vector<256xf32>
          %broadcast_in_dim3A_347 = vector.shape_cast %reduce_min3A_346 : vector<256xf32> to vector<1x256xf32>
          %eq3A_348 = vector.broadcast %broadcast_in_dim3A_347 : vector<1x256xf32> to vector<128x256xf32>
          %eq3A_349 = arith.cmpf oeq, %select_n3A_344, %eq3A_348 : vector<128x256xf32>
          %jit3A_350 = arith.constant 8192 : i32
          %broadcast_in_dim3A_351 = vector.shape_cast %add3A_330 : vector<128x1xi32> to vector<128x1xi32>
          %broadcast_in_dim3A_352 = vector.broadcast %broadcast_in_dim3A_351 : vector<128x1xi32> to vector<128x256xi32>
          %broadcast_in_dim3A_353 = vector.broadcast %jit3A_350 : i32 to vector<128x256xi32>
          %select_n3A_354 = arith.select %eq3A_349, %broadcast_in_dim3A_352, %broadcast_in_dim3A_353 : vector<128x256xi1>, vector<128x256xi32>
          %reduce_min3A_355 = arith.constant dense<2147483647> : vector<256xi32>
          %reduce_min3A_356 = vector.multi_reduction <minsi>, %select_n3A_354, %reduce_min3A_355 [0] : vector<128x256xi32> to vector<256xi32>
          %broadcast_in_dim3A_357 = vector.shape_cast %reduce_min3A_356 : vector<256xi32> to vector<1x256xi32>
          %eq3A_358 = vector.broadcast %add3A_330 : vector<128x1xi32> to vector<128x256xi32>
          %eq3A_359 = vector.broadcast %broadcast_in_dim3A_357 : vector<1x256xi32> to vector<128x256xi32>
          %eq3A_360 = arith.cmpi eq, %eq3A_358, %eq3A_359 : vector<128x256xi32>
          %broadcast_in_dim3A_361 = vector.broadcast %while3A : f32 to vector<128x256xf32>
          %select_n3A_362 = arith.select %eq3A_360, %broadcast_in_dim3A_361, %select_n3A_344 : vector<128x256xi1>, vector<128x256xf32>
          %reduce_min3A_363 = arith.constant dense<0x7F800000> : vector<256xf32>
          %reduce_min3A_364 = vector.multi_reduction <minimumf>, %select_n3A_362, %reduce_min3A_363 [0] : vector<128x256xf32> to vector<256xf32>
          %broadcast_in_dim3A_365 = vector.shape_cast %reduce_min3A_364 : vector<256xf32> to vector<1x256xf32>
          %eq3A_366 = vector.broadcast %broadcast_in_dim3A_365 : vector<1x256xf32> to vector<128x256xf32>
          %eq3A_367 = arith.cmpf oeq, %select_n3A_362, %eq3A_366 : vector<128x256xf32>
          %jit3A_368 = arith.constant 8192 : i32
          %broadcast_in_dim3A_369 = vector.shape_cast %add3A_330 : vector<128x1xi32> to vector<128x1xi32>
          %broadcast_in_dim3A_370 = vector.broadcast %broadcast_in_dim3A_369 : vector<128x1xi32> to vector<128x256xi32>
          %broadcast_in_dim3A_371 = vector.broadcast %jit3A_368 : i32 to vector<128x256xi32>
          %select_n3A_372 = arith.select %eq3A_367, %broadcast_in_dim3A_370, %broadcast_in_dim3A_371 : vector<128x256xi1>, vector<128x256xi32>
          %reduce_min3A_373 = arith.constant dense<2147483647> : vector<256xi32>
          %reduce_min3A_374 = vector.multi_reduction <minsi>, %select_n3A_372, %reduce_min3A_373 [0] : vector<128x256xi32> to vector<256xi32>
          %broadcast_in_dim3A_375 = vector.shape_cast %reduce_min3A_374 : vector<256xi32> to vector<1x256xi32>
          %eq3A_376 = vector.broadcast %add3A_330 : vector<128x1xi32> to vector<128x256xi32>
          %eq3A_377 = vector.broadcast %broadcast_in_dim3A_375 : vector<1x256xi32> to vector<128x256xi32>
          %eq3A_378 = arith.cmpi eq, %eq3A_376, %eq3A_377 : vector<128x256xi32>
          %broadcast_in_dim3A_379 = vector.broadcast %while3A : f32 to vector<128x256xf32>
          %select_n3A_380 = arith.select %eq3A_378, %broadcast_in_dim3A_379, %select_n3A_362 : vector<128x256xi1>, vector<128x256xf32>
          %reduce_min3A_381 = arith.constant dense<0x7F800000> : vector<256xf32>
          %reduce_min3A_382 = vector.multi_reduction <minimumf>, %select_n3A_380, %reduce_min3A_381 [0] : vector<128x256xf32> to vector<256xf32>
          %broadcast_in_dim3A_383 = vector.shape_cast %reduce_min3A_382 : vector<256xf32> to vector<1x256xf32>
          %eq3A_384 = vector.broadcast %broadcast_in_dim3A_383 : vector<1x256xf32> to vector<128x256xf32>
          %eq3A_385 = arith.cmpf oeq, %select_n3A_380, %eq3A_384 : vector<128x256xf32>
          %jit3A_386 = arith.constant 8192 : i32
          %broadcast_in_dim3A_387 = vector.shape_cast %add3A_330 : vector<128x1xi32> to vector<128x1xi32>
          %broadcast_in_dim3A_388 = vector.broadcast %broadcast_in_dim3A_387 : vector<128x1xi32> to vector<128x256xi32>
          %broadcast_in_dim3A_389 = vector.broadcast %jit3A_386 : i32 to vector<128x256xi32>
          %select_n3A_390 = arith.select %eq3A_385, %broadcast_in_dim3A_388, %broadcast_in_dim3A_389 : vector<128x256xi1>, vector<128x256xi32>
          %reduce_min3A_391 = arith.constant dense<2147483647> : vector<256xi32>
          %reduce_min3A_392 = vector.multi_reduction <minsi>, %select_n3A_390, %reduce_min3A_391 [0] : vector<128x256xi32> to vector<256xi32>
          %broadcast_in_dim3A_393 = vector.shape_cast %reduce_min3A_392 : vector<256xi32> to vector<1x256xi32>
          %eq3A_394 = vector.broadcast %add3A_330 : vector<128x1xi32> to vector<128x256xi32>
          %eq3A_395 = vector.broadcast %broadcast_in_dim3A_393 : vector<1x256xi32> to vector<128x256xi32>
          %eq3A_396 = arith.cmpi eq, %eq3A_394, %eq3A_395 : vector<128x256xi32>
          %broadcast_in_dim3A_397 = vector.broadcast %while3A : f32 to vector<128x256xf32>
          %select_n3A_398 = arith.select %eq3A_396, %broadcast_in_dim3A_397, %select_n3A_380 : vector<128x256xi1>, vector<128x256xf32>
          %reduce_min3A_399 = arith.constant dense<0x7F800000> : vector<256xf32>
          %reduce_min3A_400 = vector.multi_reduction <minimumf>, %select_n3A_398, %reduce_min3A_399 [0] : vector<128x256xf32> to vector<256xf32>
          %broadcast_in_dim3A_401 = vector.shape_cast %reduce_min3A_400 : vector<256xf32> to vector<1x256xf32>
          %eq3A_402 = vector.broadcast %broadcast_in_dim3A_401 : vector<1x256xf32> to vector<128x256xf32>
          %eq3A_403 = arith.cmpf oeq, %select_n3A_398, %eq3A_402 : vector<128x256xf32>
          %jit3A_404 = arith.constant 8192 : i32
          %broadcast_in_dim3A_405 = vector.shape_cast %add3A_330 : vector<128x1xi32> to vector<128x1xi32>
          %broadcast_in_dim3A_406 = vector.broadcast %broadcast_in_dim3A_405 : vector<128x1xi32> to vector<128x256xi32>
          %broadcast_in_dim3A_407 = vector.broadcast %jit3A_404 : i32 to vector<128x256xi32>
          %select_n3A_408 = arith.select %eq3A_403, %broadcast_in_dim3A_406, %broadcast_in_dim3A_407 : vector<128x256xi1>, vector<128x256xi32>
          %reduce_min3A_409 = arith.constant dense<2147483647> : vector<256xi32>
          %reduce_min3A_410 = vector.multi_reduction <minsi>, %select_n3A_408, %reduce_min3A_409 [0] : vector<128x256xi32> to vector<256xi32>
          %broadcast_in_dim3A_411 = vector.shape_cast %reduce_min3A_410 : vector<256xi32> to vector<1x256xi32>
          %eq3A_412 = vector.broadcast %add3A_330 : vector<128x1xi32> to vector<128x256xi32>
          %eq3A_413 = vector.broadcast %broadcast_in_dim3A_411 : vector<1x256xi32> to vector<128x256xi32>
          %eq3A_414 = arith.cmpi eq, %eq3A_412, %eq3A_413 : vector<128x256xi32>
          %broadcast_in_dim3A_415 = vector.broadcast %while3A : f32 to vector<128x256xf32>
          %select_n3A_416 = arith.select %eq3A_414, %broadcast_in_dim3A_415, %select_n3A_398 : vector<128x256xi1>, vector<128x256xf32>
          %lt3A_417 = arith.cmpf olt, %broadcast_in_dim3A_347, %while3A_319 : vector<1x256xf32>
          %eq3A_418 = arith.cmpf oeq, %broadcast_in_dim3A_347, %while3A_319 : vector<1x256xf32>
          %lt3A_419 = arith.cmpi slt, %broadcast_in_dim3A_357, %while3A_320 : vector<1x256xi32>
          %and3A_420 = arith.andi %eq3A_418, %lt3A_419 : vector<1x256xi1>
          %or3A_421 = arith.ori %lt3A_417, %and3A_420 : vector<1x256xi1>
          %lt3A_422 = arith.cmpf olt, %broadcast_in_dim3A_347, %while3A_321 : vector<1x256xf32>
          %eq3A_423 = arith.cmpf oeq, %broadcast_in_dim3A_347, %while3A_321 : vector<1x256xf32>
          %lt3A_424 = arith.cmpi slt, %broadcast_in_dim3A_357, %while3A_322 : vector<1x256xi32>
          %and3A_425 = arith.andi %eq3A_423, %lt3A_424 : vector<1x256xi1>
          %or3A_426 = arith.ori %lt3A_422, %and3A_425 : vector<1x256xi1>
          %lt3A_427 = arith.cmpf olt, %broadcast_in_dim3A_347, %while3A_323 : vector<1x256xf32>
          %eq3A_428 = arith.cmpf oeq, %broadcast_in_dim3A_347, %while3A_323 : vector<1x256xf32>
          %lt3A_429 = arith.cmpi slt, %broadcast_in_dim3A_357, %while3A_324 : vector<1x256xi32>
          %and3A_430 = arith.andi %eq3A_428, %lt3A_429 : vector<1x256xi1>
          %or3A_431 = arith.ori %lt3A_427, %and3A_430 : vector<1x256xi1>
          %lt3A_432 = arith.cmpf olt, %broadcast_in_dim3A_347, %while3A_325 : vector<1x256xf32>
          %eq3A_433 = arith.cmpf oeq, %broadcast_in_dim3A_347, %while3A_325 : vector<1x256xf32>
          %lt3A_434 = arith.cmpi slt, %broadcast_in_dim3A_357, %while3A_326 : vector<1x256xi32>
          %and3A_435 = arith.andi %eq3A_433, %lt3A_434 : vector<1x256xi1>
          %or3A_436 = arith.ori %lt3A_432, %and3A_435 : vector<1x256xi1>
          %select_n3A_437 = arith.select %or3A_421, %broadcast_in_dim3A_347, %while3A_319 : vector<1x256xi1>, vector<1x256xf32>
          %select_n3A_438 = arith.select %or3A_421, %broadcast_in_dim3A_357, %while3A_320 : vector<1x256xi1>, vector<1x256xi32>
          %select_n3A_439 = arith.select %or3A_426, %broadcast_in_dim3A_347, %while3A_321 : vector<1x256xi1>, vector<1x256xf32>
          %select_n3A_440 = arith.select %or3A_421, %while3A_319, %select_n3A_439 : vector<1x256xi1>, vector<1x256xf32>
          %select_n3A_441 = arith.select %or3A_426, %broadcast_in_dim3A_357, %while3A_322 : vector<1x256xi1>, vector<1x256xi32>
          %select_n3A_442 = arith.select %or3A_421, %while3A_320, %select_n3A_441 : vector<1x256xi1>, vector<1x256xi32>
          %select_n3A_443 = arith.select %or3A_431, %broadcast_in_dim3A_347, %while3A_323 : vector<1x256xi1>, vector<1x256xf32>
          %select_n3A_444 = arith.select %or3A_426, %while3A_321, %select_n3A_443 : vector<1x256xi1>, vector<1x256xf32>
          %select_n3A_445 = arith.select %or3A_431, %broadcast_in_dim3A_357, %while3A_324 : vector<1x256xi1>, vector<1x256xi32>
          %select_n3A_446 = arith.select %or3A_426, %while3A_322, %select_n3A_445 : vector<1x256xi1>, vector<1x256xi32>
          %select_n3A_447 = arith.select %or3A_436, %broadcast_in_dim3A_347, %while3A_325 : vector<1x256xi1>, vector<1x256xf32>
          %select_n3A_448 = arith.select %or3A_431, %while3A_323, %select_n3A_447 : vector<1x256xi1>, vector<1x256xf32>
          %select_n3A_449 = arith.select %or3A_436, %broadcast_in_dim3A_357, %while3A_326 : vector<1x256xi1>, vector<1x256xi32>
          %select_n3A_450 = arith.select %or3A_431, %while3A_324, %select_n3A_449 : vector<1x256xi1>, vector<1x256xi32>
          %lt3A_451 = arith.cmpf olt, %broadcast_in_dim3A_365, %select_n3A_437 : vector<1x256xf32>
          %eq3A_452 = arith.cmpf oeq, %broadcast_in_dim3A_365, %select_n3A_437 : vector<1x256xf32>
          %lt3A_453 = arith.cmpi slt, %broadcast_in_dim3A_375, %select_n3A_438 : vector<1x256xi32>
          %and3A_454 = arith.andi %eq3A_452, %lt3A_453 : vector<1x256xi1>
          %or3A_455 = arith.ori %lt3A_451, %and3A_454 : vector<1x256xi1>
          %lt3A_456 = arith.cmpf olt, %broadcast_in_dim3A_365, %select_n3A_440 : vector<1x256xf32>
          %eq3A_457 = arith.cmpf oeq, %broadcast_in_dim3A_365, %select_n3A_440 : vector<1x256xf32>
          %lt3A_458 = arith.cmpi slt, %broadcast_in_dim3A_375, %select_n3A_442 : vector<1x256xi32>
          %and3A_459 = arith.andi %eq3A_457, %lt3A_458 : vector<1x256xi1>
          %or3A_460 = arith.ori %lt3A_456, %and3A_459 : vector<1x256xi1>
          %lt3A_461 = arith.cmpf olt, %broadcast_in_dim3A_365, %select_n3A_444 : vector<1x256xf32>
          %eq3A_462 = arith.cmpf oeq, %broadcast_in_dim3A_365, %select_n3A_444 : vector<1x256xf32>
          %lt3A_463 = arith.cmpi slt, %broadcast_in_dim3A_375, %select_n3A_446 : vector<1x256xi32>
          %and3A_464 = arith.andi %eq3A_462, %lt3A_463 : vector<1x256xi1>
          %or3A_465 = arith.ori %lt3A_461, %and3A_464 : vector<1x256xi1>
          %lt3A_466 = arith.cmpf olt, %broadcast_in_dim3A_365, %select_n3A_448 : vector<1x256xf32>
          %eq3A_467 = arith.cmpf oeq, %broadcast_in_dim3A_365, %select_n3A_448 : vector<1x256xf32>
          %lt3A_468 = arith.cmpi slt, %broadcast_in_dim3A_375, %select_n3A_450 : vector<1x256xi32>
          %and3A_469 = arith.andi %eq3A_467, %lt3A_468 : vector<1x256xi1>
          %or3A_470 = arith.ori %lt3A_466, %and3A_469 : vector<1x256xi1>
          %select_n3A_471 = arith.select %or3A_455, %broadcast_in_dim3A_365, %select_n3A_437 : vector<1x256xi1>, vector<1x256xf32>
          %select_n3A_472 = arith.select %or3A_455, %broadcast_in_dim3A_375, %select_n3A_438 : vector<1x256xi1>, vector<1x256xi32>
          %select_n3A_473 = arith.select %or3A_460, %broadcast_in_dim3A_365, %select_n3A_440 : vector<1x256xi1>, vector<1x256xf32>
          %select_n3A_474 = arith.select %or3A_455, %select_n3A_437, %select_n3A_473 : vector<1x256xi1>, vector<1x256xf32>
          %select_n3A_475 = arith.select %or3A_460, %broadcast_in_dim3A_375, %select_n3A_442 : vector<1x256xi1>, vector<1x256xi32>
          %select_n3A_476 = arith.select %or3A_455, %select_n3A_438, %select_n3A_475 : vector<1x256xi1>, vector<1x256xi32>
          %select_n3A_477 = arith.select %or3A_465, %broadcast_in_dim3A_365, %select_n3A_444 : vector<1x256xi1>, vector<1x256xf32>
          %select_n3A_478 = arith.select %or3A_460, %select_n3A_440, %select_n3A_477 : vector<1x256xi1>, vector<1x256xf32>
          %select_n3A_479 = arith.select %or3A_465, %broadcast_in_dim3A_375, %select_n3A_446 : vector<1x256xi1>, vector<1x256xi32>
          %select_n3A_480 = arith.select %or3A_460, %select_n3A_442, %select_n3A_479 : vector<1x256xi1>, vector<1x256xi32>
          %select_n3A_481 = arith.select %or3A_470, %broadcast_in_dim3A_365, %select_n3A_448 : vector<1x256xi1>, vector<1x256xf32>
          %select_n3A_482 = arith.select %or3A_465, %select_n3A_444, %select_n3A_481 : vector<1x256xi1>, vector<1x256xf32>
          %select_n3A_483 = arith.select %or3A_470, %broadcast_in_dim3A_375, %select_n3A_450 : vector<1x256xi1>, vector<1x256xi32>
          %select_n3A_484 = arith.select %or3A_465, %select_n3A_446, %select_n3A_483 : vector<1x256xi1>, vector<1x256xi32>
          %lt3A_485 = arith.cmpf olt, %broadcast_in_dim3A_383, %select_n3A_471 : vector<1x256xf32>
          %eq3A_486 = arith.cmpf oeq, %broadcast_in_dim3A_383, %select_n3A_471 : vector<1x256xf32>
          %lt3A_487 = arith.cmpi slt, %broadcast_in_dim3A_393, %select_n3A_472 : vector<1x256xi32>
          %and3A_488 = arith.andi %eq3A_486, %lt3A_487 : vector<1x256xi1>
          %or3A_489 = arith.ori %lt3A_485, %and3A_488 : vector<1x256xi1>
          %lt3A_490 = arith.cmpf olt, %broadcast_in_dim3A_383, %select_n3A_474 : vector<1x256xf32>
          %eq3A_491 = arith.cmpf oeq, %broadcast_in_dim3A_383, %select_n3A_474 : vector<1x256xf32>
          %lt3A_492 = arith.cmpi slt, %broadcast_in_dim3A_393, %select_n3A_476 : vector<1x256xi32>
          %and3A_493 = arith.andi %eq3A_491, %lt3A_492 : vector<1x256xi1>
          %or3A_494 = arith.ori %lt3A_490, %and3A_493 : vector<1x256xi1>
          %lt3A_495 = arith.cmpf olt, %broadcast_in_dim3A_383, %select_n3A_478 : vector<1x256xf32>
          %eq3A_496 = arith.cmpf oeq, %broadcast_in_dim3A_383, %select_n3A_478 : vector<1x256xf32>
          %lt3A_497 = arith.cmpi slt, %broadcast_in_dim3A_393, %select_n3A_480 : vector<1x256xi32>
          %and3A_498 = arith.andi %eq3A_496, %lt3A_497 : vector<1x256xi1>
          %or3A_499 = arith.ori %lt3A_495, %and3A_498 : vector<1x256xi1>
          %lt3A_500 = arith.cmpf olt, %broadcast_in_dim3A_383, %select_n3A_482 : vector<1x256xf32>
          %eq3A_501 = arith.cmpf oeq, %broadcast_in_dim3A_383, %select_n3A_482 : vector<1x256xf32>
          %lt3A_502 = arith.cmpi slt, %broadcast_in_dim3A_393, %select_n3A_484 : vector<1x256xi32>
          %and3A_503 = arith.andi %eq3A_501, %lt3A_502 : vector<1x256xi1>
          %or3A_504 = arith.ori %lt3A_500, %and3A_503 : vector<1x256xi1>
          %select_n3A_505 = arith.select %or3A_489, %broadcast_in_dim3A_383, %select_n3A_471 : vector<1x256xi1>, vector<1x256xf32>
          %select_n3A_506 = arith.select %or3A_489, %broadcast_in_dim3A_393, %select_n3A_472 : vector<1x256xi1>, vector<1x256xi32>
          %select_n3A_507 = arith.select %or3A_494, %broadcast_in_dim3A_383, %select_n3A_474 : vector<1x256xi1>, vector<1x256xf32>
          %select_n3A_508 = arith.select %or3A_489, %select_n3A_471, %select_n3A_507 : vector<1x256xi1>, vector<1x256xf32>
          %select_n3A_509 = arith.select %or3A_494, %broadcast_in_dim3A_393, %select_n3A_476 : vector<1x256xi1>, vector<1x256xi32>
          %select_n3A_510 = arith.select %or3A_489, %select_n3A_472, %select_n3A_509 : vector<1x256xi1>, vector<1x256xi32>
          %select_n3A_511 = arith.select %or3A_499, %broadcast_in_dim3A_383, %select_n3A_478 : vector<1x256xi1>, vector<1x256xf32>
          %select_n3A_512 = arith.select %or3A_494, %select_n3A_474, %select_n3A_511 : vector<1x256xi1>, vector<1x256xf32>
          %select_n3A_513 = arith.select %or3A_499, %broadcast_in_dim3A_393, %select_n3A_480 : vector<1x256xi1>, vector<1x256xi32>
          %select_n3A_514 = arith.select %or3A_494, %select_n3A_476, %select_n3A_513 : vector<1x256xi1>, vector<1x256xi32>
          %select_n3A_515 = arith.select %or3A_504, %broadcast_in_dim3A_383, %select_n3A_482 : vector<1x256xi1>, vector<1x256xf32>
          %select_n3A_516 = arith.select %or3A_499, %select_n3A_478, %select_n3A_515 : vector<1x256xi1>, vector<1x256xf32>
          %select_n3A_517 = arith.select %or3A_504, %broadcast_in_dim3A_393, %select_n3A_484 : vector<1x256xi1>, vector<1x256xi32>
          %select_n3A_518 = arith.select %or3A_499, %select_n3A_480, %select_n3A_517 : vector<1x256xi1>, vector<1x256xi32>
          %lt3A_519 = arith.cmpf olt, %broadcast_in_dim3A_401, %select_n3A_505 : vector<1x256xf32>
          %eq3A_520 = arith.cmpf oeq, %broadcast_in_dim3A_401, %select_n3A_505 : vector<1x256xf32>
          %lt3A_521 = arith.cmpi slt, %broadcast_in_dim3A_411, %select_n3A_506 : vector<1x256xi32>
          %and3A_522 = arith.andi %eq3A_520, %lt3A_521 : vector<1x256xi1>
          %or3A_523 = arith.ori %lt3A_519, %and3A_522 : vector<1x256xi1>
          %lt3A_524 = arith.cmpf olt, %broadcast_in_dim3A_401, %select_n3A_508 : vector<1x256xf32>
          %eq3A_525 = arith.cmpf oeq, %broadcast_in_dim3A_401, %select_n3A_508 : vector<1x256xf32>
          %lt3A_526 = arith.cmpi slt, %broadcast_in_dim3A_411, %select_n3A_510 : vector<1x256xi32>
          %and3A_527 = arith.andi %eq3A_525, %lt3A_526 : vector<1x256xi1>
          %or3A_528 = arith.ori %lt3A_524, %and3A_527 : vector<1x256xi1>
          %lt3A_529 = arith.cmpf olt, %broadcast_in_dim3A_401, %select_n3A_512 : vector<1x256xf32>
          %eq3A_530 = arith.cmpf oeq, %broadcast_in_dim3A_401, %select_n3A_512 : vector<1x256xf32>
          %lt3A_531 = arith.cmpi slt, %broadcast_in_dim3A_411, %select_n3A_514 : vector<1x256xi32>
          %and3A_532 = arith.andi %eq3A_530, %lt3A_531 : vector<1x256xi1>
          %or3A_533 = arith.ori %lt3A_529, %and3A_532 : vector<1x256xi1>
          %lt3A_534 = arith.cmpf olt, %broadcast_in_dim3A_401, %select_n3A_516 : vector<1x256xf32>
          %eq3A_535 = arith.cmpf oeq, %broadcast_in_dim3A_401, %select_n3A_516 : vector<1x256xf32>
          %lt3A_536 = arith.cmpi slt, %broadcast_in_dim3A_411, %select_n3A_518 : vector<1x256xi32>
          %and3A_537 = arith.andi %eq3A_535, %lt3A_536 : vector<1x256xi1>
          %or3A_538 = arith.ori %lt3A_534, %and3A_537 : vector<1x256xi1>
          %select_n3A_539 = arith.select %or3A_523, %broadcast_in_dim3A_401, %select_n3A_505 : vector<1x256xi1>, vector<1x256xf32>
          %select_n3A_540 = arith.select %or3A_523, %broadcast_in_dim3A_411, %select_n3A_506 : vector<1x256xi1>, vector<1x256xi32>
          %select_n3A_541 = arith.select %or3A_528, %broadcast_in_dim3A_401, %select_n3A_508 : vector<1x256xi1>, vector<1x256xf32>
          %select_n3A_542 = arith.select %or3A_523, %select_n3A_505, %select_n3A_541 : vector<1x256xi1>, vector<1x256xf32>
          %select_n3A_543 = arith.select %or3A_528, %broadcast_in_dim3A_411, %select_n3A_510 : vector<1x256xi1>, vector<1x256xi32>
          %select_n3A_544 = arith.select %or3A_523, %select_n3A_506, %select_n3A_543 : vector<1x256xi1>, vector<1x256xi32>
          %select_n3A_545 = arith.select %or3A_533, %broadcast_in_dim3A_401, %select_n3A_512 : vector<1x256xi1>, vector<1x256xf32>
          %select_n3A_546 = arith.select %or3A_528, %select_n3A_508, %select_n3A_545 : vector<1x256xi1>, vector<1x256xf32>
          %select_n3A_547 = arith.select %or3A_533, %broadcast_in_dim3A_411, %select_n3A_514 : vector<1x256xi1>, vector<1x256xi32>
          %select_n3A_548 = arith.select %or3A_528, %select_n3A_510, %select_n3A_547 : vector<1x256xi1>, vector<1x256xi32>
          %select_n3A_549 = arith.select %or3A_538, %broadcast_in_dim3A_401, %select_n3A_516 : vector<1x256xi1>, vector<1x256xf32>
          %select_n3A_550 = arith.select %or3A_533, %select_n3A_512, %select_n3A_549 : vector<1x256xi1>, vector<1x256xf32>
          %select_n3A_551 = arith.select %or3A_538, %broadcast_in_dim3A_411, %select_n3A_518 : vector<1x256xi1>, vector<1x256xi32>
          %select_n3A_552 = arith.select %or3A_533, %select_n3A_514, %select_n3A_551 : vector<1x256xi1>, vector<1x256xi32>
          scf.yield %select_n3A_539, %select_n3A_540, %select_n3A_542, %select_n3A_544, %select_n3A_546, %select_n3A_548, %select_n3A_550, %select_n3A_552 : vector<1x256xf32>, vector<1x256xi32>, vector<1x256xf32>, vector<1x256xi32>, vector<1x256xf32>, vector<1x256xi32>, vector<1x256xf32>, vector<1x256xi32>
        }
        %add3A_212 = arith.constant 0 : i32
        %add3A_213 = arith.addi %while3A_193, %add3A_212 : i32
        %lt3A_214 = vector.broadcast %while3A : f32 to vector<1x256xf32>
        %lt3A_215 = arith.cmpf olt, %while3A_211#0, %lt3A_214 : vector<1x256xf32>
        %select_n3A_216 = arith.select %lt3A_215, %while3A_211#1, %add3A_143 : vector<1x256xi1>, vector<1x256xi32>
        %ne3A_217 = arith.cmpi ne, %select_n3A_216, %add3A_143 : vector<1x256xi32>
        %jit3A_218 = arith.constant 1.000000e+00 : f32
        %broadcast_in_dim3A_219 = vector.broadcast %jit3A_218 : f32 to vector<1x256xf32>
        %select_n3A_220 = arith.select %ne3A_217, %while3A_211#0, %broadcast_in_dim3A_219 : vector<1x256xi1>, vector<1x256xf32>
        %sqrt3A = math.sqrt %select_n3A_220 : vector<1x256xf32>
        %jit3A_221 = arith.constant 0.000000e+00 : f32
        %broadcast_in_dim3A_222 = vector.broadcast %jit3A_221 : f32 to vector<1x256xf32>
        %select_n3A_223 = arith.select %ne3A_217, %sqrt3A, %broadcast_in_dim3A_222 : vector<1x256xi1>, vector<1x256xf32>
        %eq3A_224 = vector.broadcast %add3A_213 : i32 to vector<32x1xi32>
        %eq3A_225 = arith.cmpi eq, %iota3A_110, %eq3A_224 : vector<32x1xi32>
        %broadcast_in_dim3A_226 = vector.shape_cast %eq3A_225 : vector<32x1xi1> to vector<32x1xi1>
        %broadcast_in_dim3A_227 = vector.broadcast %broadcast_in_dim3A_226 : vector<32x1xi1> to vector<32x256xi1>
        %broadcast_in_dim3A_228 = vector.shape_cast %select_n3A_216 : vector<1x256xi32> to vector<1x256xi32>
        %broadcast_in_dim3A_229 = vector.broadcast %broadcast_in_dim3A_228 : vector<1x256xi32> to vector<32x256xi32>
        %select_n3A_230 = arith.select %broadcast_in_dim3A_227, %broadcast_in_dim3A_229, %while3A_197 : vector<32x256xi1>, vector<32x256xi32>
        %broadcast_in_dim3A_231 = vector.shape_cast %eq3A_225 : vector<32x1xi1> to vector<32x1xi1>
        %broadcast_in_dim3A_232 = vector.broadcast %broadcast_in_dim3A_231 : vector<32x1xi1> to vector<32x256xi1>
        %broadcast_in_dim3A_233 = vector.shape_cast %select_n3A_223 : vector<1x256xf32> to vector<1x256xf32>
        %broadcast_in_dim3A_234 = vector.broadcast %broadcast_in_dim3A_233 : vector<1x256xf32> to vector<32x256xf32>
        %select_n3A_235 = arith.select %broadcast_in_dim3A_232, %broadcast_in_dim3A_234, %while3A_198 : vector<32x256xi1>, vector<32x256xf32>
        %add3A_236 = arith.constant 1 : i32
        %add3A_237 = arith.addi %while3A_193, %add3A_236 : i32
        %lt3A_238 = vector.broadcast %while3A : f32 to vector<1x256xf32>
        %lt3A_239 = arith.cmpf olt, %while3A_211#2, %lt3A_238 : vector<1x256xf32>
        %select_n3A_240 = arith.select %lt3A_239, %while3A_211#3, %add3A_143 : vector<1x256xi1>, vector<1x256xi32>
        %ne3A_241 = arith.cmpi ne, %select_n3A_240, %add3A_143 : vector<1x256xi32>
        %jit3A_242 = arith.constant 1.000000e+00 : f32
        %broadcast_in_dim3A_243 = vector.broadcast %jit3A_242 : f32 to vector<1x256xf32>
        %select_n3A_244 = arith.select %ne3A_241, %while3A_211#2, %broadcast_in_dim3A_243 : vector<1x256xi1>, vector<1x256xf32>
        %sqrt3A_245 = math.sqrt %select_n3A_244 : vector<1x256xf32>
        %jit3A_246 = arith.constant 0.000000e+00 : f32
        %broadcast_in_dim3A_247 = vector.broadcast %jit3A_246 : f32 to vector<1x256xf32>
        %select_n3A_248 = arith.select %ne3A_241, %sqrt3A_245, %broadcast_in_dim3A_247 : vector<1x256xi1>, vector<1x256xf32>
        %eq3A_249 = vector.broadcast %add3A_237 : i32 to vector<32x1xi32>
        %eq3A_250 = arith.cmpi eq, %iota3A_110, %eq3A_249 : vector<32x1xi32>
        %broadcast_in_dim3A_251 = vector.shape_cast %eq3A_250 : vector<32x1xi1> to vector<32x1xi1>
        %broadcast_in_dim3A_252 = vector.broadcast %broadcast_in_dim3A_251 : vector<32x1xi1> to vector<32x256xi1>
        %broadcast_in_dim3A_253 = vector.shape_cast %select_n3A_240 : vector<1x256xi32> to vector<1x256xi32>
        %broadcast_in_dim3A_254 = vector.broadcast %broadcast_in_dim3A_253 : vector<1x256xi32> to vector<32x256xi32>
        %select_n3A_255 = arith.select %broadcast_in_dim3A_252, %broadcast_in_dim3A_254, %select_n3A_230 : vector<32x256xi1>, vector<32x256xi32>
        %broadcast_in_dim3A_256 = vector.shape_cast %eq3A_250 : vector<32x1xi1> to vector<32x1xi1>
        %broadcast_in_dim3A_257 = vector.broadcast %broadcast_in_dim3A_256 : vector<32x1xi1> to vector<32x256xi1>
        %broadcast_in_dim3A_258 = vector.shape_cast %select_n3A_248 : vector<1x256xf32> to vector<1x256xf32>
        %broadcast_in_dim3A_259 = vector.broadcast %broadcast_in_dim3A_258 : vector<1x256xf32> to vector<32x256xf32>
        %select_n3A_260 = arith.select %broadcast_in_dim3A_257, %broadcast_in_dim3A_259, %select_n3A_235 : vector<32x256xi1>, vector<32x256xf32>
        %add3A_261 = arith.constant 2 : i32
        %add3A_262 = arith.addi %while3A_193, %add3A_261 : i32
        %lt3A_263 = vector.broadcast %while3A : f32 to vector<1x256xf32>
        %lt3A_264 = arith.cmpf olt, %while3A_211#4, %lt3A_263 : vector<1x256xf32>
        %select_n3A_265 = arith.select %lt3A_264, %while3A_211#5, %add3A_143 : vector<1x256xi1>, vector<1x256xi32>
        %ne3A_266 = arith.cmpi ne, %select_n3A_265, %add3A_143 : vector<1x256xi32>
        %jit3A_267 = arith.constant 1.000000e+00 : f32
        %broadcast_in_dim3A_268 = vector.broadcast %jit3A_267 : f32 to vector<1x256xf32>
        %select_n3A_269 = arith.select %ne3A_266, %while3A_211#4, %broadcast_in_dim3A_268 : vector<1x256xi1>, vector<1x256xf32>
        %sqrt3A_270 = math.sqrt %select_n3A_269 : vector<1x256xf32>
        %jit3A_271 = arith.constant 0.000000e+00 : f32
        %broadcast_in_dim3A_272 = vector.broadcast %jit3A_271 : f32 to vector<1x256xf32>
        %select_n3A_273 = arith.select %ne3A_266, %sqrt3A_270, %broadcast_in_dim3A_272 : vector<1x256xi1>, vector<1x256xf32>
        %eq3A_274 = vector.broadcast %add3A_262 : i32 to vector<32x1xi32>
        %eq3A_275 = arith.cmpi eq, %iota3A_110, %eq3A_274 : vector<32x1xi32>
        %broadcast_in_dim3A_276 = vector.shape_cast %eq3A_275 : vector<32x1xi1> to vector<32x1xi1>
        %broadcast_in_dim3A_277 = vector.broadcast %broadcast_in_dim3A_276 : vector<32x1xi1> to vector<32x256xi1>
        %broadcast_in_dim3A_278 = vector.shape_cast %select_n3A_265 : vector<1x256xi32> to vector<1x256xi32>
        %broadcast_in_dim3A_279 = vector.broadcast %broadcast_in_dim3A_278 : vector<1x256xi32> to vector<32x256xi32>
        %select_n3A_280 = arith.select %broadcast_in_dim3A_277, %broadcast_in_dim3A_279, %select_n3A_255 : vector<32x256xi1>, vector<32x256xi32>
        %broadcast_in_dim3A_281 = vector.shape_cast %eq3A_275 : vector<32x1xi1> to vector<32x1xi1>
        %broadcast_in_dim3A_282 = vector.broadcast %broadcast_in_dim3A_281 : vector<32x1xi1> to vector<32x256xi1>
        %broadcast_in_dim3A_283 = vector.shape_cast %select_n3A_273 : vector<1x256xf32> to vector<1x256xf32>
        %broadcast_in_dim3A_284 = vector.broadcast %broadcast_in_dim3A_283 : vector<1x256xf32> to vector<32x256xf32>
        %select_n3A_285 = arith.select %broadcast_in_dim3A_282, %broadcast_in_dim3A_284, %select_n3A_260 : vector<32x256xi1>, vector<32x256xf32>
        %add3A_286 = arith.constant 3 : i32
        %add3A_287 = arith.addi %while3A_193, %add3A_286 : i32
        %lt3A_288 = vector.broadcast %while3A : f32 to vector<1x256xf32>
        %lt3A_289 = arith.cmpf olt, %while3A_211#6, %lt3A_288 : vector<1x256xf32>
        %select_n3A_290 = arith.select %lt3A_289, %while3A_211#7, %add3A_143 : vector<1x256xi1>, vector<1x256xi32>
        %ne3A_291 = arith.cmpi ne, %select_n3A_290, %add3A_143 : vector<1x256xi32>
        %jit3A_292 = arith.constant 1.000000e+00 : f32
        %broadcast_in_dim3A_293 = vector.broadcast %jit3A_292 : f32 to vector<1x256xf32>
        %select_n3A_294 = arith.select %ne3A_291, %while3A_211#6, %broadcast_in_dim3A_293 : vector<1x256xi1>, vector<1x256xf32>
        %sqrt3A_295 = math.sqrt %select_n3A_294 : vector<1x256xf32>
        %jit3A_296 = arith.constant 0.000000e+00 : f32
        %broadcast_in_dim3A_297 = vector.broadcast %jit3A_296 : f32 to vector<1x256xf32>
        %select_n3A_298 = arith.select %ne3A_291, %sqrt3A_295, %broadcast_in_dim3A_297 : vector<1x256xi1>, vector<1x256xf32>
        %eq3A_299 = vector.broadcast %add3A_287 : i32 to vector<32x1xi32>
        %eq3A_300 = arith.cmpi eq, %iota3A_110, %eq3A_299 : vector<32x1xi32>
        %broadcast_in_dim3A_301 = vector.shape_cast %eq3A_300 : vector<32x1xi1> to vector<32x1xi1>
        %broadcast_in_dim3A_302 = vector.broadcast %broadcast_in_dim3A_301 : vector<32x1xi1> to vector<32x256xi1>
        %broadcast_in_dim3A_303 = vector.shape_cast %select_n3A_290 : vector<1x256xi32> to vector<1x256xi32>
        %broadcast_in_dim3A_304 = vector.broadcast %broadcast_in_dim3A_303 : vector<1x256xi32> to vector<32x256xi32>
        %select_n3A_305 = arith.select %broadcast_in_dim3A_302, %broadcast_in_dim3A_304, %select_n3A_280 : vector<32x256xi1>, vector<32x256xi32>
        %broadcast_in_dim3A_306 = vector.shape_cast %eq3A_300 : vector<32x1xi1> to vector<32x1xi1>
        %broadcast_in_dim3A_307 = vector.broadcast %broadcast_in_dim3A_306 : vector<32x1xi1> to vector<32x256xi1>
        %broadcast_in_dim3A_308 = vector.shape_cast %select_n3A_298 : vector<1x256xf32> to vector<1x256xf32>
        %broadcast_in_dim3A_309 = vector.broadcast %broadcast_in_dim3A_308 : vector<1x256xf32> to vector<32x256xf32>
        %select_n3A_310 = arith.select %broadcast_in_dim3A_307, %broadcast_in_dim3A_309, %select_n3A_285 : vector<32x256xi1>, vector<32x256xf32>
        %reduce_min3A = vector.shape_cast %while3A_211#6 : vector<1x256xf32> to vector<1x1x256xf32>
        %reduce_min3A_311 = arith.constant dense<0x7F800000> : vector<1xf32>
        %reduce_min3A_312 = vector.multi_reduction <minimumf>, %reduce_min3A, %reduce_min3A_311 [1, 2] : vector<1x1x256xf32> to vector<1xf32>
        %reduce_min3A_313 = vector.shape_cast %reduce_min3A_312 : vector<1xf32> to vector<1x1x1xf32>
        %reduce_min3A_314 = vector.extract %reduce_min3A_313[0, 0, 0] : f32 from vector<1x1x1xf32>
        %lt3A_315 = arith.cmpf olt, %reduce_min3A_314, %while3A : f32
        %add3A_316 = arith.constant 4 : i32
        %add3A_317 = arith.addi %while3A_193, %add3A_316 : i32
        scf.yield %add3A_317, %lt3A_315, %while3A_211#6, %while3A_211#7, %select_n3A_305, %select_n3A_310 : i32, i1, vector<1x256xf32>, vector<1x256xi32>, vector<32x256xi32>, vector<32x256xf32>
      }
      %get3A_165 = arith.index_cast %while3A_125 : i32 to index
      %get3A_166 = arith.constant 0 : index
      %get3A_167 = arith.constant 0 : index
      %get3A_168 = vector.load %arg8[%get3A_165, %get3A_166, %get3A_167] : memref<32x32x256xi32, #tpu.memory_space<vmem>>, vector<1x32x256xi32>
      %get3A_169 = vector.shape_cast %get3A_168 : vector<1x32x256xi32> to vector<32x256xi32>
      %broadcast_in_dim3A_170 = vector.shape_cast %eq3A_141 : vector<1x256xi1> to vector<1x256xi1>
      %broadcast_in_dim3A_171 = vector.broadcast %broadcast_in_dim3A_170 : vector<1x256xi1> to vector<32x256xi1>
      %select_n3A_172 = arith.select %broadcast_in_dim3A_171, %while3A_164#4, %get3A_169 : vector<32x256xi1>, vector<32x256xi32>
      %swap3A = arith.index_cast %while3A_125 : i32 to index
      %swap3A_173 = arith.constant 0 : index
      %swap3A_174 = arith.constant 0 : index
      %swap3A_175 = vector.load %arg8[%swap3A, %swap3A_173, %swap3A_174] : memref<32x32x256xi32, #tpu.memory_space<vmem>>, vector<1x32x256xi32>
      %swap3A_176 = vector.shape_cast %swap3A_175 : vector<1x32x256xi32> to vector<32x256xi32>
      %swap3A_177 = vector.shape_cast %select_n3A_172 : vector<32x256xi32> to vector<1x32x256xi32>
      tpu.vector_store %arg8[%swap3A, %swap3A_173, %swap3A_174], %swap3A_177 {strides = array<i32>} : memref<32x32x256xi32, #tpu.memory_space<vmem>>, vector<1x32x256xi32>,
      %get3A_178 = arith.index_cast %while3A_125 : i32 to index
      %get3A_179 = arith.constant 0 : index
      %get3A_180 = arith.constant 0 : index
      %get3A_181 = vector.load %arg9[%get3A_178, %get3A_179, %get3A_180] : memref<32x32x256xf32, #tpu.memory_space<vmem>>, vector<1x32x256xf32>
      %get3A_182 = vector.shape_cast %get3A_181 : vector<1x32x256xf32> to vector<32x256xf32>
      %broadcast_in_dim3A_183 = vector.shape_cast %eq3A_141 : vector<1x256xi1> to vector<1x256xi1>
      %broadcast_in_dim3A_184 = vector.broadcast %broadcast_in_dim3A_183 : vector<1x256xi1> to vector<32x256xi1>
      %select_n3A_185 = arith.select %broadcast_in_dim3A_184, %while3A_164#5, %get3A_182 : vector<32x256xi1>, vector<32x256xf32>
      %swap3A_186 = arith.index_cast %while3A_125 : i32 to index
      %swap3A_187 = arith.constant 0 : index
      %swap3A_188 = arith.constant 0 : index
      %swap3A_189 = vector.load %arg9[%swap3A_186, %swap3A_187, %swap3A_188] : memref<32x32x256xf32, #tpu.memory_space<vmem>>, vector<1x32x256xf32>
      %swap3A_190 = vector.shape_cast %swap3A_189 : vector<1x32x256xf32> to vector<32x256xf32>
      %swap3A_191 = vector.shape_cast %select_n3A_185 : vector<32x256xf32> to vector<1x32x256xf32>
      tpu.vector_store %arg9[%swap3A_186, %swap3A_187, %swap3A_188], %swap3A_191 {strides = array<i32>} : memref<32x32x256xf32, #tpu.memory_space<vmem>>, vector<1x32x256xf32>,
      %while3A_192 = arith.constant 0 : i32
      scf.yield %while3A_192 : i32
    }
    %eq3A = arith.constant 15 : i32
    %eq3A_122 = arith.cmpi eq, %arg0, %eq3A : i32
    %convert_element_type3A_123 = arith.extui %eq3A_122 : i1 to i32
    %cond3A = arith.constant 0 : i32
    %cond3A_124 = arith.cmpi ne, %convert_element_type3A_123, %cond3A : i32
    scf.if %cond3A_124 {
      %scan3A = arith.constant 0 : i32
      %scan3A_125 = arith.constant 32 : i32
      %scan3A_126 = arith.addi %scan3A, %scan3A_125 : i32
      %scan3A_127 = arith.constant 1 : i32
      scf.for %scan3A_129 = %scan3A to %scan3A_126 step %scan3A_127  : i32 {
        %get3A_130 = arith.index_cast %scan3A_129 : i32 to index
        %get3A_131 = arith.constant 0 : index
        %get3A_132 = arith.constant 0 : index
        %get3A_133 = vector.load %arg8[%get3A_130, %get3A_131, %get3A_132] : memref<32x32x256xi32, #tpu.memory_space<vmem>>, vector<1x32x256xi32>
        %get3A_134 = vector.shape_cast %get3A_133 : vector<1x32x256xi32> to vector<32x256xi32>
        %swap3A = arith.index_cast %scan3A_129 : i32 to index
        %swap3A_135 = arith.constant 0 : index
        %swap3A_136 = arith.constant 0 : index
        %swap3A_137 = vector.load %arg5[%swap3A, %swap3A_135, %swap3A_136] : memref<32x32x256xi32, #tpu.memory_space<vmem>>, vector<1x32x256xi32>
        %swap3A_138 = vector.shape_cast %swap3A_137 : vector<1x32x256xi32> to vector<32x256xi32>
        %swap3A_139 = vector.shape_cast %get3A_134 : vector<32x256xi32> to vector<1x32x256xi32>
        tpu.vector_store %arg5[%swap3A, %swap3A_135, %swap3A_136], %swap3A_139 {strides = array<i32>} : memref<32x32x256xi32, #tpu.memory_space<vmem>>, vector<1x32x256xi32>,
        %get3A_140 = arith.index_cast %scan3A_129 : i32 to index
        %get3A_141 = arith.constant 0 : index
        %get3A_142 = arith.constant 0 : index
        %get3A_143 = vector.load %arg9[%get3A_140, %get3A_141, %get3A_142] : memref<32x32x256xf32, #tpu.memory_space<vmem>>, vector<1x32x256xf32>
        %get3A_144 = vector.shape_cast %get3A_143 : vector<1x32x256xf32> to vector<32x256xf32>
        %swap3A_145 = arith.index_cast %scan3A_129 : i32 to index
        %swap3A_146 = arith.constant 0 : index
        %swap3A_147 = arith.constant 0 : index
        %swap3A_148 = vector.load %arg6[%swap3A_145, %swap3A_146, %swap3A_147] : memref<32x32x256xf32, #tpu.memory_space<vmem>>, vector<1x32x256xf32>
        %swap3A_149 = vector.shape_cast %swap3A_148 : vector<1x32x256xf32> to vector<32x256xf32>
        %swap3A_150 = vector.shape_cast %get3A_144 : vector<32x256xf32> to vector<1x32x256xf32>
        tpu.vector_store %arg6[%swap3A_145, %swap3A_146, %swap3A_147], %swap3A_150 {strides = array<i32>} : memref<32x32x256xf32, #tpu.memory_space<vmem>>, vector<1x32x256xf32>,
      }
      %scan3A_128 = arith.constant 32 : i32
    } else {
    }
    return
  }
  func.func @transform_0(%arg0: i32) -> (i32, i32) {
    %c0_i32 = arith.constant 0 : i32
    %c0_i32_0 = arith.constant 0 : i32
    %c0_i32_1 = arith.constant 0 : i32
    return %c0_i32, %c0_i32_0 : i32, i32
  }
  func.func @transform_1(%arg0: i32) -> (i32, i32) {
    %c0_i32 = arith.constant 0 : i32
    %c0_i32_0 = arith.constant 0 : i32
    %c0_i32_1 = arith.constant 0 : i32
    return %c0_i32, %c0_i32_0 : i32, i32
  }
  func.func @transform_2(%arg0: i32) -> (i32, i32, i32) {
    %c0_i32 = arith.constant 0 : i32
    %c0_i32_0 = arith.constant 0 : i32
    %c0_i32_1 = arith.constant 0 : i32
    %c0_i32_2 = arith.constant 0 : i32
    return %c0_i32, %c0_i32_0, %c0_i32_1 : i32, i32, i32
  }
  func.func @transform_3(%arg0: i32) -> (i32, i32, i32) {
    %c0_i32 = arith.constant 0 : i32
    %c0_i32_0 = arith.constant 0 : i32
    %c0_i32_1 = arith.constant 0 : i32
    %c0_i32_2 = arith.constant 0 : i32
    return %c0_i32, %c0_i32_0, %c0_i32_1 : i32, i32, i32
  }
  func.func @transform_4(%arg0: i32) -> (i32, i32, i32) {
    %c0_i32 = arith.constant 0 : i32
    %c0_i32_0 = arith.constant 0 : i32
    %c0_i32_1 = arith.constant 0 : i32
    %c0_i32_2 = arith.constant 0 : i32
    return %c0_i32, %c0_i32_0, %c0_i32_1 : i32, i32, i32
  }
  func.func @transform_5(%arg0: i32) -> (i32, i32, i32) {
    %c0_i32 = arith.constant 0 : i32
    %c0_i32_0 = arith.constant 0 : i32
    %c0_i32_1 = arith.constant 0 : i32
    %c0_i32_2 = arith.constant 0 : i32
    return %c0_i32, %c0_i32_0, %c0_i32_1 : i32, i32, i32
  }
}

</mosaic_0001>

<sc_bundles>
// kernel: kernel.4.cloned.1.call-start
scs
__scs_entry_jumppad:
0x0: {  	(pc) =	sbr.rel $0x88, $3  }
0x1: {  	(tag) =	ssettag $0x0;
	lr =	simm.s32 $0x1  }
0x2: {  	[smem:$0x3F9F] =	sst lr;
	_ =	strace $0xD0000000  }
0x3: {  	_ = 	snop  }
0x4: {  	_ = 	snop  }
0x5: {  	_ = 	snop  }
0x6: {  	_ = 	snop  }
0x7: {  	_ = 	snop  }
__scs_overlays_trampoline_lowered:
0x8: {  	[smem:$0x3FAE] =	sst s0  }
0x9: {  	[smem:$0x3FAF] =	sst s1  }
0xa: {  	[smem:$0x3FB0] =	sst s2  }
0xb: {  	[smem:$0x3FB1] =	sst s3  }
0xc: {  	[smem:$0x3FB2] =	sst s4  }
0xd: {  	[smem:$0x3FB3] =	sst s5  }
0xe: {  	[smem:$0x3FB4] =	sst s6  }
0xf: {  	[smem:$0x3FB5] =	sst s7  }
0x10: {  	[smem:$0x3FB6] =	sst s8  }
0x11: {  	[smem:$0x3FB7] =	sst s9;
	s0 =	simm.s32 @!p0 $0x0  }
0x12: {  	s1 =	sld [smem:$0x3F9D];
	s0 =	simm.s32 @p0 $0x1  }
0x13: {  	[smem:$0x3FB8] =	sst s0;
	s0 =	simm.s32 @!p1 $0x0  }
0x14: {  	s2 =	sld [smem:$0x3F9C];
	s0 =	simm.s32 @p1 $0x1  }
0x15: {  	[smem:$0x3FB9] =	sst s0;
	s0 =	simm.s32 @!p2 $0x0  }
0x16: {  	s3 =	sld [smem:$0x3FDB];
	s0 =	simm.s32 @p2 $0x1  }
0x17: {  	s4 =	simm.s32 $0x1BF5;
	[smem:$0x3FBB] =	sst s0  }
0x18: {  	s0 =	sld [smem:$0x3F9E];
	_ =	swait.ge [sflag:s4], $0x0  }
0x19: {  	s7 =	sld [smem:$0x3F9F]  }
0x1a: {  	s8 =	sadd.s32 $0xFFFFE003, lr  }
0x1b: {  	s9 =	sadd.s32 $0xFFFFFEF7, lr;
	s5 =	simm.s32 $0xFFFFFFFF;
	p2 =	slt.u32 s8, $0xFFFFF086  }
0x1c: {  	p1 =	slt.u32 s9, $0xF7A;
	s5 =	simm.s32 @!p2 $0x0  }
0x1d: {  	s5 =	simm.s32 @p1 $0x1;
	p0 =	seq.s32 s7, s2  }
0x1e: {  	s7 =	smul.u32 @!p0 $0xF7A, s2;
	p2 =	seq.s32 @!p0 s5, $0x0  }
0x1f: {  	s9 =	smul.u32 $0xF7A, s1;
	s8 =	simm.s32 @!p0 $0x1BF5;
	p2 =	por !p2, p0  }
0x20: {  	[sflag:s8] =	ssyncset.s32 @!p0 $0xFFFFF086;
	s6 =	sadd.s32 @!p0 s3, s7;
	s7 =	simm.s32 @!p0 $0x108  }
0x21: {  	s3 =	sadd.s32 s3, s9;
	s6 =	sadd.s32 @!p0 $0x88, s6;
	s7 =	simm.s32 @p2 $0x1082  }
0x22: {  	[simem:s7], [sflag:s8] =	dma.local @!p0 [hbm:s6], $0xF7A  }
0x23: {  	s9 =	sor.u32 $0xD0000000, s2;
	s6 =	simm.s32 $0x108;
	_ =	swait.ge @!p0 [sflag:s8], $0x0  }
0x24: {  	s3 =	sadd.s32 $0x88, s3;
	s6 =	simm.s32 @!p1 $0x1082;
	[sflag:s4] =	ssyncset.s32 $0xFFFFF086  }
0x25: {  	[simem:s6], [sflag:s4] =	dma.local [hbm:s3], $0xF7A  }
0x26: {  	[smem:$0x3F9F] =	sst s1;
	(tag) =	ssettag s2;
	_ =	strace s9  }
0x27: {  	s1 =	sld [smem:$0x3FAF]  }
0x28: {  	s2 =	sld [smem:$0x3FB0]  }
0x29: {  	s4 =	sld [smem:$0x3FB2]  }
0x2a: {  	p0 =	seq.s32 s5, $0x0;
	s5 =	sld [smem:$0x3FB3]  }
0x2b: {  	s6 =	sld [smem:$0x3FB4]  }
0x2c: {  	s7 =	sld [smem:$0x3FB5]  }
0x2d: {  	s3 =	simm.s32 $0x108;
	s8 =	sld [smem:$0x3FB6]  }
0x2e: {  	s3 =	simm.s32 @!p0 $0x1082;
	s9 =	sld [smem:$0x3FB7]  }
0x2f: {  	lr =	sadd.s32 s0, s3;
	s0 =	sld [smem:$0x3FAE]  }
0x30: {  	s3 =	sld [smem:$0x3FB1]  }
0x31: {  	[smem:$0x3FBA] =	sst s10  }
0x32: {  	s10 =	sld [smem:$0x3FB8];
	_ =	sdelay $0x3  }
0x33: {  	p0 =	seq.s32 s10, $0x1;
	s10 =	sld [smem:$0x3FBA];
	_ =	sdelay $0x3  }
0x34: {  	[smem:$0x3FBA] =	sst s10  }
0x35: {  	s10 =	sld [smem:$0x3FB9];
	_ =	sdelay $0x3  }
0x36: {  	p1 =	seq.s32 s10, $0x1;
	s10 =	sld [smem:$0x3FBA];
	_ =	sdelay $0x3  }
0x37: {  	[smem:$0x3FBA] =	sst s10  }
0x38: {  	s10 =	sld [smem:$0x3FBB]  }
0x39: {  	_ = 	snop;
	(pc) =	sbr.ind lr, $3  }
0x3a: {  	_ = 	snop  }
0x3b: {  	_ = 	snop  }
0x3c: {  	p2 =	seq.s32 s10, $0x1;
	s10 =	sld [smem:$0x3FBA]  }
0x3d: {  	_ =	shalt  }
0x3e: {  	_ =	shalt  }
0x3f: {  	_ =	shalt  }
0x40: {  	_ =	shalt  }
0x41: {  	_ =	shalt  }
0x42: {  	_ =	shalt  }
0x43: {  	_ =	shalt  }
0x44: {  	_ =	shalt  }
0x45: {  	_ =	shalt  }
0x46: {  	_ =	shalt  }
0x47: {  	_ =	shalt  }
0x48: {  	_ =	shalt  }
0x49: {  	_ =	shalt  }
0x4a: {  	_ =	shalt  }
0x4b: {  	_ =	shalt  }
0x4c: {  	_ =	shalt  }
0x4d: {  	_ =	shalt  }
0x4e: {  	_ =	shalt  }
0x4f: {  	_ =	shalt  }
0x50: {  	_ =	shalt  }
0x51: {  	_ =	shalt  }
0x52: {  	_ =	shalt  }
0x53: {  	_ =	shalt  }
0x54: {  	_ =	shalt  }
0x55: {  	_ =	shalt  }
0x56: {  	_ =	shalt  }
0x57: {  	_ =	shalt  }
0x58: {  	_ =	shalt  }
0x59: {  	_ =	shalt  }
0x5a: {  	_ =	shalt  }
0x5b: {  	_ =	shalt  }
0x5c: {  	_ =	shalt  }
0x5d: {  	_ =	shalt  }
0x5e: {  	_ =	shalt  }
0x5f: {  	_ =	shalt  }
0x60: {  	_ =	shalt  }
0x61: {  	_ =	shalt  }
0x62: {  	_ =	shalt  }
0x63: {  	_ =	shalt  }
0x64: {  	_ =	shalt  }
0x65: {  	_ =	shalt  }
0x66: {  	_ =	shalt  }
0x67: {  	_ =	shalt  }
0x68: {  	_ =	shalt  }
0x69: {  	_ =	shalt  }
0x6a: {  	_ =	shalt  }
0x6b: {  	_ =	shalt  }
0x6c: {  	_ =	shalt  }
0x6d: {  	_ =	shalt  }
0x6e: {  	_ =	shalt  }
0x6f: {  	_ =	shalt  }
0x70: {  	_ =	shalt  }
0x71: {  	_ =	shalt  }
0x72: {  	_ =	shalt  }
0x73: {  	_ =	shalt  }
0x74: {  	_ =	shalt  }
0x75: {  	_ =	shalt  }
0x76: {  	_ =	shalt  }
0x77: {  	_ =	shalt  }
0x78: {  	_ =	shalt  }
0x79: {  	_ =	shalt  }
0x7a: {  	_ =	shalt  }
0x7b: {  	_ =	shalt  }
0x7c: {  	_ =	shalt  }
0x7d: {  	_ =	shalt  }
0x7e: {  	_ =	shalt  }
0x7f: {  	_ =	shalt  }
0x80: {  	_ =	shalt  }
0x81: {  	_ =	shalt  }
0x82: {  	_ =	shalt  }
0x83: {  	_ =	shalt  }
0x84: {  	_ =	shalt  }
0x85: {  	_ =	shalt  }
0x86: {  	_ =	shalt  }
0x87: {  	_ =	shalt  }
.Lfunc_end0:
.L_simem_size_0:
called_computation_lowered:
.L_overlay_start_0:
0x88: {  	s2 =	sld [smem:$0x3FD9]  }
0x89: {  	s3 =	sld [smem:$0x3FFE];
	_ =	sdelay $0x1  }
0x8a: {  	s1 =	srdreg.scid  }
0x8b: {  	s0 =	sand.u32 $0x1, s1  }
0x8c: {  	s14 =	sshll.u32 s0, $0xA;
	s2 =	sadd.s32 s3, s2  }
0x8d: {  	s2 =	sadd.s32 s2, s14  }
0x8e: {  	[smem:$0x3FC6] =	sst s2  }
0x8f: {  	_ = 	snop  }
0x90: {  	s2 =	sld [smem:$0x3FD0];
	_ =	sdelay $0x2  }
0x91: {  	s15 =	simm.s32 $0xA;
	s4 =	simm.s32 $0x10  }
0x92: {  	[smem:s4], [sflag:s15] =	dma.local [hbm:s2], $0x1  }
0x93: {  	_ =	swait.eq [sflag:s15], $0x1  }
0x94: {  	[sflag:s15] =	ssyncset.done $0x0  }
0x95: {  	[sflag:s15] =	ssyncadd.s32 $0xFFFFFFFF  }
0x96: {  	s16 =	sld [smem:$0x12];
	(tm) =	ssettm $0x1  }
0x97: {  	s17 =	sld [smem:$0x3FFB];
	_ =	sdelay $0x3  }
0x98: {  	_ =	strace s17  }
0x99: {  	s3 =	sld [smem:$0x3FFC];
	_ =	sdelay $0x3  }
0x9a: {  	_ =	strace s3  }
0x9b: {  	s3 =	sld [smem:$0x3FFD];
	_ =	sdelay $0x3  }
0x9c: {  	_ =	strace s3  }
0x9d: {  	_ =	strace $0x8FFFFFFF  }
0x9e: {  	s18 =	sld [smem:$0x3FDB];
	_ =	sdelay $0x1  }
0x9f: {  	s19 =	simm.s32 $_scs_section_size  }
0xa0: {  	s5 =	simm.s32 $_size__tile_overlayer_lowered;
	s6 =	simm.s32 $_tile_overlayer_lowered  }
0xa1: {  	s22 =	simm.s32 $0x1BFF;
	s21 =	sshll.u32 s6, $0x1;
	s3 =	sadd.s32 s19, s18  }
0xa2: {  	s7 =	simm.s32 $0x0;
	s20 =	sshll.u32 s5, $0x1;
	s5 =	sadd.s32 s21, s3  }
0xa3: {  	[timem:s7], [sflag:s22] =	dma.local [hbm:s5], s20  }
0xa4: {  	_ =	swait.ge [sflag:s22], s20  }
0xa5: {  	s4 =	ssub.s32 $0x0, s20;
	[sflag:s22] =	ssyncset.done $0x0  }
0xa6: {  	[sflag:s22] =	ssyncadd.s32 s4;
	_ =	sdelay $0x1  }
0xa7: {  	s23 =	simm.s32 $0x1B8B  }
0xa8: {  	_ =	swait.ge [sflag:s23], $0x1  }
0xa9: {  	[sflag:s23] =	ssyncset.done $0x0  }
0xaa: {  	s25 =	simm.s32 $0x1B8E;
	s24 =	sld [smem:$0x3FFE];
	[sflag:s23] =	ssyncadd.s32 $0xFFFFFFFF  }
0xab: {  	s26 =	simm.s32 $execute0_lowered;
	[smem:$0x3FD2] =	sst s25  }
0xac: {  	s5 =	sshll.u32 s26, $0x1;
	_ =	strace $0x80000046;
	[dreg:$0x1] =	wrdreg $0xFFFFFFFF  }
0xad: {  	s28 =	simm.s32 $_size_execute0_lowered;
	s3 =	sadd.s32 s3, s5;
	[dreg:$0x0] =	wrdreg $0x0  }
0xae: {  	s5 =	sshll.u32 s28, $0x1;
	[dreg:$0x2] =	wrdreg s3  }
0xaf: {  	[dreg:$0x3] =	wrdreg s5  }
0xb0: {  	[dreg:$0x4] =	wrdreg $0xC0  }
0xb1: {  	_ =	task [dreg:s7], $0x5FFFF  }
0xb2: {  	[dreg:$0x1] =	wrdreg $0xFFFFFFFF  }
0xb3: {  	[dreg:$0x0] =	wrdreg $0x60  }
0xb4: {  	[dreg:$0x2] =	wrdreg s24  }
0xb5: {  	[dreg:$0x3] =	wrdreg s16  }
0xb6: {  	[dreg:$0x4] =	wrdreg $0x9  }
0xb7: {  	_ =	task.clear_ibuf [dreg:s7], $0x5FFFF;
	_ =	strace $0x90000046  }
0xb8: {  	s29 =	simm.s32 $0x9;
	_ =	strace $0x80000048  }
0xb9: {  	_ =	swait.ge [sflag:s29], $0x1  }
0xba: {  	[sflag:s29] =	ssyncadd.s32 $0xFFFFFFFF  }
0xbb: {  	_ =	strace $0x90000048  }
0xbc: {  	_ =	sfence  }
0xbd: {  	s30 =	sld [smem:$0x0];
	_ =	sdelay $0x2  }
0xbe: {  	s31 =	sshll.u32 s1, $0xD;
	s1 =	sshrl.u32 s1, $0x2  }
0xbf: {  	s3 =	sand.u32 $0x4000, s31;
	s1 =	sadd.s32 s1, s30  }
0xc0: {  	s0 =	sor.u32 s3, s0;
	s1 =	sshll.u32 s1, $0x11  }
0xc1: {  	s0 =	sor.u32 s1, s0  }
0xc2: {  	s0 =	sadd.s32 $0x8F2B, s0  }
0xc3: {  	[sflag:s0] =	ssyncadd.remote.s32 $0x1  }
0xc4: {  	_ =	sfence.sel $0xFFFF  }
0xc5: {  	[dreg:$0x0] =	wrdreg $0xFFFFFFFF;
	(pc) =	sbr.abs _section_cstart, $3  }
0xc6: {  	[dreg:$0x1] =	wrdreg $0xFFFFFFFF  }
0xc7: {  	_ =	task.clear_ibuf [dreg:s7], $0x2FFFF;
	_ =	strace $0x9FFFFFFF  }
0xc8: {  	(tm) =	ssettm $0x7FFFFFFF  }
0xc9: {  	_ =	shalt  }
tec
execute0_lowered:
.L_overlay_start_1:
0x0: {  	(tag) =	ssettag $0x1  }
0x1: {  	s7 =	rddreg [dreg:$0x0]  }
0x2: {  	s8 =	rddreg [dreg:$0x1]  }
0x3: {  	s0 =	rddreg [dreg:$0x2]  }
0x4: {  	s2 =	simm.s32 $0x0;
	s3 =	srdreg.scid;
	s1 =	stileid.u32  }
0x5: {  	s13 =	simm.s32 $0x2000;
	s14 =	simm.s32 $0x4000;
	s15 =	simm.s32 $0x6000  }
0x6: {  	s16 =	simm.s32 $0x8000;
	s17 =	simm.s32 $0xA000;
	s18 =	simm.s32 $0xC000  }
0x7: {  	s19 =	simm.s32 $0x0;
	[smem:$0x7FF] =	sst s2;
	s6 =	sand.u32 $0x1, s3  }
0x8: {  	s3 =	sadd.s32 $0x1800, s7;
	s5 =	sshll.u32 s1, $0xE;
	s9 =	sshll.u32 s6, $0xD  }
0x9: {  	s4 =	sadd.s32 $0x1400, s7;
	s31 =	ssub.s32 $0x2, s6;
	s5 =	sor.u32 s9, s5  }
0xa: {  	_ =	strace $0x80000047;
	s11 =	sshrl.u32 s31, $0x1;
	s10 =	sshrl.u32 s5, $0x3  }
0xb: {  	s6 =	sadd.s32 $0x1000, s7;
	s11 =	ssub.s32 s31, s11;
	s12 =	sadd.s32 s10, s7  }
0xc: {  	s7 =	sadd.s32 s8, s10;
	s11 =	smax.u32 s11, $0x1;
	s8 =	sadd.s32 $0x1C00, s12  }
0xd: {  	s9 =	sadd.s32 $0x9C00, s12;
	s10 =	sadd.s32 $0x11C00, s12;
	s12 =	simm.s32 $0x1  }
.LBB2_1:
0xe: {  	[tilespmem:s2], [sflag:$0x1] =	stream.linear.gather [hbm4b:s3+s2], $0x2000, $0x38;
	[tilespmem:$0xE000] =	vst v63  }
0xf: {  	_ =	swait.ge [sflag:s12], $0x2000  }
0x10: {  	[sflag:s12] =	ssyncset.done $0x0  }
0x11: {  	[sflag:s12] =	ssyncadd.s32 $0xFFFFE000  }
0x12: {  	[tilespmem:s13], [sflag:$0x1] =	stream.linear.gather [hbm4b:s4+s2], $0x2000, $0x38;
	[tilespmem:$0xE000] =	vst v63  }
0x13: {  	_ =	swait.ge [sflag:s12], $0x2000  }
0x14: {  	[sflag:s12] =	ssyncset.done $0x0  }
0x15: {  	[sflag:s12] =	ssyncadd.s32 $0xFFFFE000  }
0x16: {  	[tilespmem:s14], [sflag:$0x1] =	stream.linear.gather [hbm4b:s6+s2], $0x2000, $0x38;
	[tilespmem:$0xE000] =	vst v63  }
0x17: {  	_ =	swait.ge [sflag:s12], $0x2000  }
0x18: {  	[sflag:s12] =	ssyncset.done $0x0  }
0x19: {  	[sflag:s12] =	ssyncadd.s32 $0xFFFFE000  }
0x1a: {  	[tilespmem:s15], [sflag:$0x1] =	stream.linear.gather [hbm4b:s7+s2], $0x2000, $0x38;
	[tilespmem:$0xE000] =	vst v63  }
0x1b: {  	_ =	swait.ge [sflag:s12], $0x2000  }
0x1c: {  	[sflag:s12] =	ssyncset.done $0x0  }
0x1d: {  	s20 =	simm.s32 $0x0;
	v0 =	vmov s5;
	[sflag:s12] =	ssyncadd.s32 $0xFFFFE000  }
0x1e: {  	v0 =	vshrl.u32 v0, $0x5;
	v1 =	vld [tilespmem:s20+$0x6000]  }
0x1f: {  	v0 =	vbroadcast v0, $0x0;
	_ =	sdelay $0x5  }
0x20: {  	v2 =	vld.idx.msk [tilespmem:v0+s2+$0x0], $0xffff  }
0x21: {  	v3 =	vld.idx.msk [tilespmem:v1+s2+$0x0], $0xffff;
	_ =	sdelay $0x4  }
0x22: {  	v2 =	vsub.f32 v3, v2;
	_ =	sdelay $0x1  }
0x23: {  	[tilespmem:s20+$0x8000] =	vst v2  }
0x24: {  	v2 =	vld.idx.msk [tilespmem:v1+s13+$0x0], $0xffff  }
0x25: {  	v3 =	vld.idx.msk [tilespmem:v0+s13+$0x0], $0xffff;
	_ =	sdelay $0x4  }
0x26: {  	v2 =	vsub.f32 v2, v3;
	_ =	sdelay $0x1  }
0x27: {  	[tilespmem:s20+$0xA000] =	vst v2  }
0x28: {  	s21 =	sadd.s32 $0x10, s5;
	v2 =	vld.idx.msk [tilespmem:v1+s14+$0x0], $0xffff  }
0x29: {  	s23 =	simm.s32 $0x10;
	v1 =	vmov s21;
	v3 =	vld.idx.msk [tilespmem:v0+s14+$0x0], $0xffff  }
0x2a: {  	v0 =	vld [tilespmem:s23+$0x6000];
	v1 =	vshrl.u32 v1, $0x5  }
0x2b: {  	s22 =	simm.s32 $0x80;
	v1 =	vbroadcast v1, $0x0  }
.LBB2_2:
0x2c: {  	_ =	sdelay $0x1  }
0x2d: {  	p0 =	sne.s32 s22, $0x7FC0;
	s24 =	smov.u32 s22;
	s22 =	sadd.s32 $0x40, s22;
	v2 =	vsub.f32 v2, v3  }
0x2e: {  	_ = 	snop  }
0x2f: {  	[tilespmem:s20+$0xC000] =	vst v2;
	s20 =	smov.u32 s23  }
0x30: {  	v2 =	vld.idx.msk [tilespmem:v1+s2+$0x0], $0xffff  }
0x31: {  	v3 =	vld.idx.msk [tilespmem:v0+s2+$0x0], $0xffff;
	_ =	sdelay $0x5  }
0x32: {  	v2 =	vsub.f32 v3, v2;
	_ =	sdelay $0x1  }
0x33: {  	[tilespmem:s20+$0x8000] =	vst v2  }
0x34: {  	v2 =	vld.idx.msk [tilespmem:v0+s13+$0x0], $0xffff  }
0x35: {  	v3 =	vld.idx.msk [tilespmem:v1+s13+$0x0], $0xffff;
	_ =	sdelay $0x5  }
0x36: {  	v2 =	vsub.f32 v2, v3;
	_ =	sdelay $0x1  }
0x37: {  	[tilespmem:s20+$0xA000] =	vst v2  }
.Ltmp0:
0x38: {  	v2 =	vld.idx.msk [tilespmem:v0+s14+$0x0], $0xffff;
	(pc) =	sbr.rel @p0 .LBB2_2-.Ltmp0, $4  }
0x39: {  	s21 =	sadd.s32 $0x10, s21;
	v3 =	vld.idx.msk [tilespmem:v1+s14+$0x0], $0xffff  }
0x3a: {  	s23 =	sshra.s32 s24, $0x2;
	v1 =	vmov s21  }
0x3b: {  	v1 =	vshrl.u32 v1, $0x5;
	v0 =	vld [tilespmem:s23+$0x6000]  }
0x3c: {  	v1 =	vbroadcast v1, $0x0  }
0x3d: {  	_ =	sdelay $0x2  }
0x3e: {  	v2 =	vsub.f32 v2, v3;
	_ =	sdelay $0x1  }
0x3f: {  	[tilespmem:s20+$0xC000] =	vst v2  }
0x40: {  	v2 =	vld.idx.msk [tilespmem:v1+s2+$0x0], $0xffff  }
0x41: {  	v60 =	vld.idx.msk [tilespmem:v0+s2+$0x0], $0xffff;
	_ =	sdelay $0x4  }
0x42: {  	v2 =	vsub.f32 v60, v2;
	_ =	sdelay $0x1  }
0x43: {  	[tilespmem:s23+$0x8000] =	vst v2  }
0x44: {  	v2 =	vld.idx.msk [tilespmem:v0+s13+$0x0], $0xffff  }
0x45: {  	v61 =	vld.idx.msk [tilespmem:v1+s13+$0x0], $0xffff;
	_ =	sdelay $0x4  }
0x46: {  	v2 =	vsub.f32 v2, v61;
	_ =	sdelay $0x1  }
0x47: {  	[tilespmem:s23+$0xA000] =	vst v2  }
0x48: {  	v62 =	vld.idx.msk [tilespmem:v0+s14+$0x0], $0xffff  }
0x49: {  	v63 =	vld.idx.msk [tilespmem:v1+s14+$0x0], $0xffff;
	_ =	sdelay $0x4  }
0x4a: {  	v0 =	vsub.f32 v62, v63;
	_ =	sdelay $0x1  }
0x4b: {  	[tilespmem:s23+$0xC000] =	vst v0  }
0x4c: {  	[hbm4b:s8+s2] =	stream.linear.scatter [tilespmem:s16], [sflag:$0x1], $0x2000, $0x38;
	[tilespmem:$0xE000] =	vst v63  }
0x4d: {  	_ =	swait.ge [sflag:s12], $0x2000  }
0x4e: {  	[sflag:s12] =	ssyncset.done $0x0  }
0x4f: {  	[sflag:s12] =	ssyncadd.s32 $0xFFFFE000  }
0x50: {  	[hbm4b:s9+s2] =	stream.linear.scatter [tilespmem:s17], [sflag:$0x1], $0x2000, $0x38;
	[tilespmem:$0xE000] =	vst v63  }
0x51: {  	s19 =	sadd.s32 $0x1, s19;
	_ =	swait.ge [sflag:s12], $0x2000  }
0x52: {  	p0 =	sne.s32 s19, s11;
	[sflag:s12] =	ssyncset.done $0x0  }
.Ltmp1:
0x53: {  	[sflag:s12] =	ssyncadd.s32 $0xFFFFE000;
	(pc) =	sbr.rel @p0 .LBB2_1-.Ltmp1, $4  }
0x54: {  	[hbm4b:s10+s2] =	stream.linear.scatter [tilespmem:s18], [sflag:$0x1], $0x2000, $0x38;
	[tilespmem:$0xE000] =	vst v63  }
0x55: {  	_ =	swait.ge [sflag:s12], $0x2000  }
0x56: {  	[sflag:s12] =	ssyncset.done $0x0  }
0x57: {  	[sflag:s12] =	ssyncadd.s32 $0xFFFFE000  }
0x58: {  	_ =	sfence.sel $0x180000  }
0x59: {  	[bflag:$0x0] =	sbarrier.arrive $0xFFFF  }
0x5a: {  	p0 =	sne.s32 s1, $0x0;
	_ =	strace $0x90000047  }
0x5b: {  	s0 =	sadd.s32 @!p0 $0x100000, s0;
	[bflag:$0x2] =	sbarrier.arrive $0xFFFF  }
0x5c: {  	[sflag:s0] =	ssyncadd.tile.s32 @!p0 $0x1;
	_ =	shalt  }
.Lfunc_end2:
_tile_overlayer_lowered:
.L_overlay_start_2:
0x5d: {  	(tag) =	ssettag $0x2  }
0x5e: {  	s0 =	rddreg [dreg:$0x0];
	s2 =	stileid.u32  }
0x5f: {  	s1 =	rddreg [dreg:$0x1];
	p0 =	sne.s32 s2, $0x0  }
0x60: {  	s3 =	rddreg [dreg:$0x2];
	[bflag:$0x3] =	sbarrier.arrive $0xFFFF;
	s2 =	simm.s32 @!p0 $0x1C01  }
0x61: {  	[timem:s3], [sflag:s2] =	dma.local @!p0 [hbm:s0], s1  }
0x62: {  	s0 =	simm.s32 @!p0 $0x1  }
0x63: {  	_ =	swait.ge @!p0 [sflag:s0], s1  }
0x64: {  	s1 =	ssub.s32 @!p0 $0x0, s1;
	[sflag:s0] =	ssyncset.done @!p0 $0x0  }
0x65: {  	[sflag:s0] =	ssyncadd.s32 @!p0 s1  }
0x66: {  	[bflag:$0x3] =	sbarrier.arrive $0xFFFF  }
0x67: {  	_ =	shalt  }

</sc_bundles>
